<compile_context>
chip_gen: v7x
topology: tpu7x:2x2x1
jax: 0.10.2.dev20260603
libtpu: 0.0.44.dev20260713+nightly
codegen_flags: <defaults>
</compile_context>

<pallas_src>
import functools

import jax
import jax.numpy as jnp
from jax import lax
from jax.experimental import pallas as pl
from jax.experimental.pallas import tpu as pltpu
from jax.experimental.pallas import tpu_sc as plsc

N_NODES = 10000
NFEAT = 2614
NHID = 128
HEADS = 4
NCLASS = 2
N_EDGES = 160000
RED = NFEAT // 16

NGROUPS = 8
E_CHUNK = N_EDGES // NGROUPS
LANES = 16


def _colsum_body(x_ref, o_ref):
    @pl.when(pl.program_id(0) == 0)
    def _():
        o_ref[...] = jnp.zeros_like(o_ref)

    o_ref[...] += jnp.sum(x_ref[...], axis=0, keepdims=True)


def _colsum(h2d):
    return pl.pallas_call(
        _colsum_body,
        grid=(25,),
        in_specs=[pl.BlockSpec((400, NFEAT), lambda i: (i, 0))],
        out_specs=pl.BlockSpec((1, NFEAT), lambda i: (0, 0)),
        out_shape=jax.ShapeDtypeStruct((1, NFEAT), jnp.float32),
    )(h2d)


def _wb_body(cs_ref, sw1_ref, sb1_ref, sw2_ref, sb2_ref, gw_ref,
             al_ref, ar_ref, wg_ref, wx_ref, w_ref):
    dn = (((1,), (1,)), ((), ()))
    y0 = cs_ref[...] * (1.0 / N_NODES)
    t1 = jax.lax.dot_general(y0, sw1_ref[...], dn,
                             preferred_element_type=jnp.float32)
    t1 = jax.nn.relu(t1 + sb1_ref[...])
    y = jax.lax.dot_general(t1, sw2_ref[...], dn,
                            preferred_element_type=jnp.float32)
    y = jax.nn.sigmoid(y + sb2_ref[...])

    dn_k = (((1,), (0,)), ((), ()))
    rows = []
    for h in range(HEADS):
        gw_h = gw_ref[NHID * h:NHID * (h + 1), :]
        rows.append(jax.lax.dot_general(al_ref[h:h + 1, :], gw_h, dn_k,
                                                   preferred_element_type=jnp.float32))
    for h in range(HEADS):
        gw_h = gw_ref[NHID * h:NHID * (h + 1), :]
        rows.append(jax.lax.dot_general(ar_ref[h:h + 1, :], gw_h, dn_k,
                                                   preferred_element_type=jnp.float32))
    for h in range(HEADS):
        gw_h = gw_ref[NHID * h:NHID * (h + 1), :]
        for c in range(NCLASS):
            wg_hc = wg_ref[c:c + 1, NHID * h:NHID * (h + 1)]
            rows.append(jax.lax.dot_general(wg_hc, gw_h, dn_k,
                                                           preferred_element_type=jnp.float32))
    rows.append(wx_ref[0:1, :])
    rows.append(wx_ref[1:2, :])
    w18 = jnp.concatenate(rows, axis=0) * y
    w_ref[...] = jnp.concatenate(
        [w18, jnp.zeros((32 - 18, NFEAT), jnp.float32)], axis=0)


def _weights(cs, se_w1, se_b1, se_w2, se_b2, gat_W, attn_l, attn_r, wg, wx):
    return pl.pallas_call(
        _wb_body,
        out_shape=jax.ShapeDtypeStruct((32, NFEAT), jnp.float32),
    )(cs, se_w1, se_b1, se_w2, se_b2, gat_W, attn_l, attn_r, wg, wx)


def _mm_body(w_ref, x_ref, o_ref):
    o_ref[...] = jax.lax.dot_general(
        w_ref[...], x_ref[...], (((1,), (1,)), ((), ())),
        preferred_element_type=jnp.float32)


def _project(w_t, h2d):
    nblk = 20
    blk = 512
    return pl.pallas_call(
        _mm_body,
        grid=(nblk,),
        in_specs=[
            pl.BlockSpec((32, NFEAT), lambda i: (0, 0)),
            pl.BlockSpec((blk, NFEAT), lambda i: (i, 0)),
        ],
        out_specs=pl.BlockSpec((32, blk), lambda i: (0, i)),
        out_shape=jax.ShapeDtypeStruct((32, N_NODES), jnp.float32),
    )(w_t, h2d)


_SC_MESH = plsc.VectorSubcoreMesh(core_axis_name="c", subcore_axis_name="s")


@functools.partial(
    pl.kernel,
    mesh=_SC_MESH,
    compiler_params=pltpu.CompilerParams(needs_layout_passes=False),
    out_type=jax.ShapeDtypeStruct((96 * N_NODES,), jnp.float32),
    scratch_types=[
        pltpu.VMEM((E_CHUNK,), jnp.int32),
        pltpu.VMEM((E_CHUNK,), jnp.int32),
        pltpu.VMEM((N_NODES,), jnp.float32),
        pltpu.VMEM((N_NODES,), jnp.float32),
        pltpu.VMEM((N_NODES,), jnp.float32),
        pltpu.VMEM((N_NODES,), jnp.float32),
        pltpu.VMEM((N_NODES,), jnp.float32),
        pltpu.VMEM((N_NODES,), jnp.float32),
        pltpu.VMEM((N_NODES,), jnp.float32),
        pltpu.SemaphoreType.DMA,
    ],
)
def _sc_edge(pt_hbm, eidx_hbm, zeros_hbm, acc_hbm,
             src_v, dst_v, el_v, er_v, z0_v, z1_v, as_v, an0_v, an1_v, sem):
    cid = lax.axis_index("c")
    sid = lax.axis_index("s")
    wid = sid * 2 + cid
    h = wid // NGROUPS
    g = wid % NGROUPS

    copies = [
        pltpu.make_async_copy(
            pt_hbm.at[pl.ds(h * N_NODES, N_NODES)], el_v, sem),
        pltpu.make_async_copy(
            pt_hbm.at[pl.ds((4 + h) * N_NODES, N_NODES)], er_v, sem),
        pltpu.make_async_copy(
            pt_hbm.at[pl.ds((8 + 2 * h) * N_NODES, N_NODES)], z0_v, sem),
        pltpu.make_async_copy(
            pt_hbm.at[pl.ds((9 + 2 * h) * N_NODES, N_NODES)], z1_v, sem),
        pltpu.make_async_copy(
            eidx_hbm.at[pl.ds(g * E_CHUNK, E_CHUNK)], src_v, sem),
        pltpu.make_async_copy(
            eidx_hbm.at[pl.ds(N_EDGES + g * E_CHUNK, E_CHUNK)], dst_v, sem),
        pltpu.make_async_copy(zeros_hbm, as_v, sem),
        pltpu.make_async_copy(zeros_hbm, an0_v, sem),
        pltpu.make_async_copy(zeros_hbm, an1_v, sem),
    ]
    for c in copies:
        c.start()
    for c in copies:
        c.wait()

    @plsc.parallel_loop(0, E_CHUNK // LANES, unroll=8)
    def _body(i):
        sv = src_v[pl.ds(i * LANES, LANES)]
        dv = dst_v[pl.ds(i * LANES, LANES)]
        el = plsc.load_gather(el_v, [sv])
        er = plsc.load_gather(er_v, [dv])
        z0 = plsc.load_gather(z0_v, [sv])
        z1 = plsc.load_gather(z1_v, [sv])
        e = el + er
        e = jnp.where(e >= 0.0, e, 0.2 * e)
        ee = jnp.exp(e)
        plsc.addupdate_scatter(as_v, [dv], ee)
        plsc.addupdate_scatter(an0_v, [dv], ee * z0)
        plsc.addupdate_scatter(an1_v, [dv], ee * z1)

    pltpu.sync_copy(as_v, acc_hbm.at[pl.ds((wid * 3 + 0) * N_NODES, N_NODES)])
    pltpu.sync_copy(an0_v, acc_hbm.at[pl.ds((wid * 3 + 1) * N_NODES, N_NODES)])
    pltpu.sync_copy(an1_v, acc_hbm.at[pl.ds((wid * 3 + 2) * N_NODES, N_NODES)])


def _comb_body(pt_ref, acc_ref, gb_ref, wg_ref, lb_ref, o_ref):
    c0 = []
    for c in range(NCLASS):
        c0.append(jnp.sum(gb_ref[...] * wg_ref[c:c + 1, :]) + lb_ref[0, c])
    o0 = pt_ref[16:17, :] + c0[0]
    o1 = pt_ref[17:18, :] + c0[1]
    for h in range(HEADS):
        el = pt_ref[h:h + 1, :]
        er = pt_ref[4 + h:5 + h, :]
        e = el + er
        e = jnp.where(e >= 0.0, e, 0.2 * e)
        ee = jnp.exp(e)
        z0 = pt_ref[8 + 2 * h:9 + 2 * h, :]
        z1 = pt_ref[9 + 2 * h:10 + 2 * h, :]
        s = ee
        n0 = ee * z0
        n1 = ee * z1
        for g in range(NGROUPS):
            w = h * NGROUPS + g
            s = s + acc_ref[3 * w + 0:3 * w + 1, :]
            n0 = n0 + acc_ref[3 * w + 1:3 * w + 2, :]
            n1 = n1 + acc_ref[3 * w + 2:3 * w + 3, :]
        inv = 1.0 / s
        o0 = o0 + n0 * inv
        o1 = o1 + n1 * inv
    o_ref[...] = jnp.concatenate([o0, o1], axis=0)


def _combine(p_t, acc, gb, wg, lb):
    blk = 2048
    nblk = 5
    return pl.pallas_call(
        _comb_body,
        grid=(nblk,),
        in_specs=[
            pl.BlockSpec((32, blk), lambda i: (0, i)),
            pl.BlockSpec((96, blk), lambda i: (0, i)),
            pl.BlockSpec((1, 512), lambda i: (0, 0)),
            pl.BlockSpec((2, 512), lambda i: (0, 0)),
            pl.BlockSpec((1, 2), lambda i: (0, 0)),
        ],
        out_specs=pl.BlockSpec((2, blk), lambda i: (0, i)),
        out_shape=jax.ShapeDtypeStruct((2, N_NODES), jnp.float32),
    )(p_t, acc, gb, wg, lb)


def kernel(x, edge_index, adj_matrix, se_w1, se_b1, se_w2, se_b2,
           gat_W, attn_l, attn_r, gat_bias, lin_W, lin_b):
    h2d = x.astype(jnp.float32).reshape(N_NODES, NFEAT)
    wg = lin_W[:, :HEADS * NHID]
    wx = lin_W[:, HEADS * NHID:]

    cs = _colsum(h2d)
    w_t = _weights(cs, se_w1, se_b1.reshape(1, RED), se_w2,
                   se_b2.reshape(1, NFEAT), gat_W, attn_l, attn_r, wg, wx)
    p_t = _project(w_t, h2d)

    acc = _sc_edge(p_t.reshape(-1), edge_index.reshape(-1),
                   jnp.zeros((N_NODES,), jnp.float32))

    out_t = _combine(p_t, acc.reshape(96, N_NODES),
                     gat_bias.reshape(1, HEADS * NHID), wg,
                     lin_b.reshape(1, NCLASS))
    return out_t.T

# --- scband reference (transcript-rebuilt; emitter-appended) ---
"""Pipeline reference for scband-deep-hot-resi-63239098466788 (READ-ONLY COPY).

The authoritative reference and input builder live on the scoring server;
editing this copy changes nothing except your own understanding.
"""

import jax, jax.numpy as jnp
import numpy as np

N_NODES = 10000
NFEAT = 2614
NHID = 128
HEADS = 4
NCLASS = 2
N_EDGES = 160000
RED = 2614 // 16  # 163


def setup_inputs(seed: int = 0) -> dict:
    key = jax.random.key(seed)
    ks = jax.random.split(key, 14)
    x = jax.random.normal(ks[0], (100, 100, NFEAT), dtype=jnp.float32)
    edge_index = jax.random.randint(ks[1], (2, N_EDGES), 0, N_NODES, dtype=jnp.int32)
    adj_matrix = jnp.zeros((1,), dtype=jnp.float32)  # unused by forward
    se_w1 = jax.random.normal(ks[2], (RED, NFEAT), dtype=jnp.float32) * 0.05
    se_b1 = jnp.zeros((RED,), dtype=jnp.float32)
    se_w2 = jax.random.normal(ks[3], (NFEAT, RED), dtype=jnp.float32) * 0.05
    se_b2 = jnp.zeros((NFEAT,), dtype=jnp.float32)
    gat_W = jax.random.normal(ks[4], (HEADS * NHID, NFEAT), dtype=jnp.float32) * 0.02
    attn_l = jax.random.normal(ks[5], (HEADS, NHID), dtype=jnp.float32) * 0.05
    attn_r = jax.random.normal(ks[6], (HEADS, NHID), dtype=jnp.float32) * 0.05
    gat_bias = jnp.zeros((HEADS * NHID,), dtype=jnp.float32)
    lin_W = jax.random.normal(ks[7], (NCLASS, HEADS * NHID + NFEAT), dtype=jnp.float32) * 0.02
    lin_b = jnp.zeros((NCLASS,), dtype=jnp.float32)
    return {"x": x, "edge_index": edge_index, "adj_matrix": adj_matrix,
            "se_w1": se_w1, "se_b1": se_b1, "se_w2": se_w2, "se_b2": se_b2,
            "gat_W": gat_W, "attn_l": attn_l, "attn_r": attn_r, "gat_bias": gat_bias,
            "lin_W": lin_W, "lin_b": lin_b}


def reference(x, edge_index, adj_matrix, se_w1, se_b1, se_w2, se_b2, gat_W, attn_l, attn_r, gat_bias, lin_W, lin_b):
    # x: [a, b, nfeat] -> flatten nodes
    N = x.shape[0] * x.shape[1]
    h = x.astype(jnp.float32).reshape(N, x.shape[2])
    # SELayer: channel-wise gating from mean over nodes
    y = jnp.mean(h, axis=0)
    y = jax.nn.relu(y @ se_w1.T + se_b1)
    y = jax.nn.sigmoid(y @ se_w2.T + se_b2)
    h = h * y
    xse = h
    # dgl.add_self_loop
    loops = jnp.arange(N, dtype=edge_index.dtype)
    src = jnp.concatenate([edge_index[0], loops])
    dst = jnp.concatenate([edge_index[1], loops])
    # DGL GATConv, num_heads=4
    feat = (h @ gat_W.T).reshape(N, HEADS, NHID)
    el = jnp.sum(feat * attn_l[None, :, :], axis=-1)  # [N, H]
    er = jnp.sum(feat * attn_r[None, :, :], axis=-1)  # [N, H]
    e = jax.nn.leaky_relu(el[src] + er[dst], 0.2)     # [E, H]
    m = jax.ops.segment_max(e, dst, num_segments=N)
    ee = jnp.exp(e - m[dst])
    s = jax.ops.segment_sum(ee, dst, num_segments=N)
    a = ee / s[dst]
    msg = feat[src] * a[:, :, None]
    rst = jax.ops.segment_sum(msg, dst, num_segments=N)
    rst = rst + gat_bias.reshape(1, HEADS, NHID)
    out = rst.reshape(N, HEADS * NHID)
    out = jnp.concatenate([out, xse], axis=1)
    # dropout is identity at eval time
    out = out @ lin_W.T + lin_b
    return out

if __name__ == "__main__":
    import jax
    _d = setup_inputs()
    print(jax.jit(kernel)(*tuple(_d.values())))

</pallas_src>

<mosaic_0001>
#map = affine_map<(d0, d1) -> (0)>
module attributes {stable_mosaic.version = 14 : i64} {
  func.func @_sc_edge(%arg0: i32, %arg1: i32, %arg2: memref<320000xf32, #tpu.memory_space<hbm>>, %arg3: memref<320000xi32, #tpu.memory_space<hbm>>, %arg4: memref<10000xf32, #tpu.memory_space<hbm>>, %arg5: memref<960000xf32, #tpu.memory_space<hbm>>, %arg6: memref<20000xi32, #tpu.memory_space<vmem>>, %arg7: memref<20000xi32, #tpu.memory_space<vmem>>, %arg8: memref<10000xf32, #tpu.memory_space<vmem>>, %arg9: memref<10000xf32, #tpu.memory_space<vmem>>, %arg10: memref<10000xf32, #tpu.memory_space<vmem>>, %arg11: memref<10000xf32, #tpu.memory_space<vmem>>, %arg12: memref<10000xf32, #tpu.memory_space<vmem>>, %arg13: memref<10000xf32, #tpu.memory_space<vmem>>, %arg14: memref<10000xf32, #tpu.memory_space<vmem>>, %arg15: memref<!tpu.dma_semaphore, #tpu.memory_space<semaphore_mem>>) attributes {dimension_semantics = [#tpu.dimension_semantics<core_parallel>, #tpu.dimension_semantics<subcore_parallel>], iteration_bounds = array<i64: 2, 16>, scalar_prefetch = 0 : i64, scratch_operands = 10 : i64, tpu.core_type = #tpu.core_type<sc_vector_subcore>, window_params = [{transform_indices = #map}, {transform_indices = #map}, {transform_indices = #map}, {transform_indices = #map}]} {
    %mul3A = arith.constant 2 : i32
    %mul3A_0 = arith.muli %arg1, %mul3A : i32
    %add3A = arith.addi %mul3A_0, %arg0 : i32
    %jit3A = arith.constant 8 : i32
    %div3A = arith.divsi %add3A, %jit3A : i32
    %sign3A = arith.constant 0 : i32
    %sign3A_1 = arith.cmpi sgt, %add3A, %sign3A : i32
    %sign3A_2 = arith.extui %sign3A_1 : i1 to i32
    %sign3A_3 = arith.constant 0 : i32
    %sign3A_4 = arith.cmpi slt, %add3A, %sign3A_3 : i32
    %sign3A_5 = arith.extui %sign3A_4 : i1 to i32
    %sign3A_6 = arith.subi %sign3A_2, %sign3A_5 : i32
    %sign3A_7 = arith.constant 0 : i32
    %sign3A_8 = arith.cmpi sgt, %jit3A, %sign3A_7 : i32
    %sign3A_9 = arith.extui %sign3A_8 : i1 to i32
    %sign3A_10 = arith.constant 0 : i32
    %sign3A_11 = arith.cmpi slt, %jit3A, %sign3A_10 : i32
    %sign3A_12 = arith.extui %sign3A_11 : i1 to i32
    %sign3A_13 = arith.subi %sign3A_9, %sign3A_12 : i32
    %ne3A = arith.cmpi ne, %sign3A_6, %sign3A_13 : i32
    %rem3A = arith.remsi %add3A, %jit3A : i32
    %ne3A_14 = arith.constant 0 : i32
    %ne3A_15 = arith.cmpi ne, %rem3A, %ne3A_14 : i32
    %and3A = arith.andi %ne3A, %ne3A_15 : i1
    %sub3A = arith.constant 1 : i32
    %sub3A_16 = arith.subi %div3A, %sub3A : i32
    %select_n3A = arith.select %and3A, %sub3A_16, %div3A : i32
    %jit3A_17 = arith.constant 8 : i32
    %eq3A = arith.constant 0 : i32
    %eq3A_18 = arith.cmpi eq, %jit3A_17, %eq3A : i32
    %jit3A_19 = arith.constant 1 : i32
    %select_n3A_20 = arith.select %eq3A_18, %jit3A_19, %jit3A_17 : i32
    %rem3A_21 = arith.remsi %add3A, %select_n3A_20 : i32
    %ne3A_22 = arith.constant 0 : i32
    %ne3A_23 = arith.cmpi ne, %rem3A_21, %ne3A_22 : i32
    %lt3A = arith.constant 0 : i32
    %lt3A_24 = arith.cmpi slt, %rem3A_21, %lt3A : i32
    %lt3A_25 = arith.constant 0 : i32
    %lt3A_26 = arith.cmpi slt, %select_n3A_20, %lt3A_25 : i32
    %ne3A_27 = arith.xori %lt3A_24, %lt3A_26 : i1
    %and3A_28 = arith.andi %ne3A_27, %ne3A_23 : i1
    %add3A_29 = arith.addi %rem3A_21, %select_n3A_20 : i32
    %select_n3A_30 = arith.select %and3A_28, %add3A_29, %rem3A_21 : i32
    %mul3A_31 = arith.constant 10000 : i32
    %mul3A_32 = arith.muli %select_n3A, %mul3A_31 : i32
    %add3A_33 = arith.constant 4 : i32
    %add3A_34 = arith.addi %add3A_33, %select_n3A : i32
    %mul3A_35 = arith.constant 10000 : i32
    %mul3A_36 = arith.muli %add3A_34, %mul3A_35 : i32
    %mul3A_37 = arith.constant 2 : i32
    %mul3A_38 = arith.muli %mul3A_37, %select_n3A : i32
    %add3A_39 = arith.constant 8 : i32
    %add3A_40 = arith.addi %add3A_39, %mul3A_38 : i32
    %mul3A_41 = arith.constant 10000 : i32
    %mul3A_42 = arith.muli %add3A_40, %mul3A_41 : i32
    %mul3A_43 = arith.constant 2 : i32
    %mul3A_44 = arith.muli %mul3A_43, %select_n3A : i32
    %add3A_45 = arith.constant 9 : i32
    %add3A_46 = arith.addi %add3A_45, %mul3A_44 : i32
    %mul3A_47 = arith.constant 10000 : i32
    %mul3A_48 = arith.muli %add3A_46, %mul3A_47 : i32
    %mul3A_49 = arith.constant 20000 : i32
    %mul3A_50 = arith.muli %select_n3A_30, %mul3A_49 : i32
    %mul3A_51 = arith.constant 20000 : i32
    %mul3A_52 = arith.muli %select_n3A_30, %mul3A_51 : i32
    %add3A_53 = arith.constant 160000 : i32
    %add3A_54 = arith.addi %add3A_53, %mul3A_52 : i32
    %dma_start3A = tpu.memref_slice %arg2[%mul3A_32] : memref<320000xf32, #tpu.memory_space<hbm>> -> memref<10000xf32, #tpu.memory_space<hbm>>
    %dma_start3A_55 = tpu.memref_slice %arg2[%mul3A_32] : memref<320000xf32, #tpu.memory_space<hbm>> -> memref<10000xf32, #tpu.memory_space<hbm>>
    tpu.enqueue_dma source(%dma_start3A_55 : memref<10000xf32, #tpu.memory_space<hbm>>) target(%arg8 : memref<10000xf32, #tpu.memory_space<vmem>>) target_semaphore(%arg15 : memref<!tpu.dma_semaphore, #tpu.memory_space<semaphore_mem>>)
    %dma_start3A_56 = tpu.memref_slice %arg2[%mul3A_36] : memref<320000xf32, #tpu.memory_space<hbm>> -> memref<10000xf32, #tpu.memory_space<hbm>>
    %dma_start3A_57 = tpu.memref_slice %arg2[%mul3A_36] : memref<320000xf32, #tpu.memory_space<hbm>> -> memref<10000xf32, #tpu.memory_space<hbm>>
    tpu.enqueue_dma source(%dma_start3A_57 : memref<10000xf32, #tpu.memory_space<hbm>>) target(%arg9 : memref<10000xf32, #tpu.memory_space<vmem>>) target_semaphore(%arg15 : memref<!tpu.dma_semaphore, #tpu.memory_space<semaphore_mem>>)
    %dma_start3A_58 = tpu.memref_slice %arg2[%mul3A_42] : memref<320000xf32, #tpu.memory_space<hbm>> -> memref<10000xf32, #tpu.memory_space<hbm>>
    %dma_start3A_59 = tpu.memref_slice %arg2[%mul3A_42] : memref<320000xf32, #tpu.memory_space<hbm>> -> memref<10000xf32, #tpu.memory_space<hbm>>
    tpu.enqueue_dma source(%dma_start3A_59 : memref<10000xf32, #tpu.memory_space<hbm>>) target(%arg10 : memref<10000xf32, #tpu.memory_space<vmem>>) target_semaphore(%arg15 : memref<!tpu.dma_semaphore, #tpu.memory_space<semaphore_mem>>)
    %dma_start3A_60 = tpu.memref_slice %arg2[%mul3A_48] : memref<320000xf32, #tpu.memory_space<hbm>> -> memref<10000xf32, #tpu.memory_space<hbm>>
    %dma_start3A_61 = tpu.memref_slice %arg2[%mul3A_48] : memref<320000xf32, #tpu.memory_space<hbm>> -> memref<10000xf32, #tpu.memory_space<hbm>>
    tpu.enqueue_dma source(%dma_start3A_61 : memref<10000xf32, #tpu.memory_space<hbm>>) target(%arg11 : memref<10000xf32, #tpu.memory_space<vmem>>) target_semaphore(%arg15 : memref<!tpu.dma_semaphore, #tpu.memory_space<semaphore_mem>>)
    %dma_start3A_62 = tpu.memref_slice %arg3[%mul3A_50] : memref<320000xi32, #tpu.memory_space<hbm>> -> memref<20000xi32, #tpu.memory_space<hbm>>
    %dma_start3A_63 = tpu.memref_slice %arg3[%mul3A_50] : memref<320000xi32, #tpu.memory_space<hbm>> -> memref<20000xi32, #tpu.memory_space<hbm>>
    tpu.enqueue_dma source(%dma_start3A_63 : memref<20000xi32, #tpu.memory_space<hbm>>) target(%arg6 : memref<20000xi32, #tpu.memory_space<vmem>>) target_semaphore(%arg15 : memref<!tpu.dma_semaphore, #tpu.memory_space<semaphore_mem>>)
    %dma_start3A_64 = tpu.memref_slice %arg3[%add3A_54] : memref<320000xi32, #tpu.memory_space<hbm>> -> memref<20000xi32, #tpu.memory_space<hbm>>
    %dma_start3A_65 = tpu.memref_slice %arg3[%add3A_54] : memref<320000xi32, #tpu.memory_space<hbm>> -> memref<20000xi32, #tpu.memory_space<hbm>>
    tpu.enqueue_dma source(%dma_start3A_65 : memref<20000xi32, #tpu.memory_space<hbm>>) target(%arg7 : memref<20000xi32, #tpu.memory_space<vmem>>) target_semaphore(%arg15 : memref<!tpu.dma_semaphore, #tpu.memory_space<semaphore_mem>>)
    tpu.enqueue_dma source(%arg4 : memref<10000xf32, #tpu.memory_space<hbm>>) target(%arg12 : memref<10000xf32, #tpu.memory_space<vmem>>) target_semaphore(%arg15 : memref<!tpu.dma_semaphore, #tpu.memory_space<semaphore_mem>>)
    tpu.enqueue_dma source(%arg4 : memref<10000xf32, #tpu.memory_space<hbm>>) target(%arg13 : memref<10000xf32, #tpu.memory_space<vmem>>) target_semaphore(%arg15 : memref<!tpu.dma_semaphore, #tpu.memory_space<semaphore_mem>>)
    tpu.enqueue_dma source(%arg4 : memref<10000xf32, #tpu.memory_space<hbm>>) target(%arg14 : memref<10000xf32, #tpu.memory_space<vmem>>) target_semaphore(%arg15 : memref<!tpu.dma_semaphore, #tpu.memory_space<semaphore_mem>>)
    %dma_wait3A = tpu.memref_slice %arg2[%mul3A_32] : memref<320000xf32, #tpu.memory_space<hbm>> -> memref<10000xf32, #tpu.memory_space<hbm>>
    %dma_wait3A_66 = tpu.memref_slice %arg2[%mul3A_32] : memref<320000xf32, #tpu.memory_space<hbm>> -> memref<10000xf32, #tpu.memory_space<hbm>>
    tpu.wait_dma2 semaphore(%arg15 : memref<!tpu.dma_semaphore, #tpu.memory_space<semaphore_mem>>) src(%dma_wait3A_66 : memref<10000xf32, #tpu.memory_space<hbm>>) dst(%arg8 : memref<10000xf32, #tpu.memory_space<vmem>>)
    %dma_wait3A_67 = tpu.memref_slice %arg2[%mul3A_36] : memref<320000xf32, #tpu.memory_space<hbm>> -> memref<10000xf32, #tpu.memory_space<hbm>>
    %dma_wait3A_68 = tpu.memref_slice %arg2[%mul3A_36] : memref<320000xf32, #tpu.memory_space<hbm>> -> memref<10000xf32, #tpu.memory_space<hbm>>
    tpu.wait_dma2 semaphore(%arg15 : memref<!tpu.dma_semaphore, #tpu.memory_space<semaphore_mem>>) src(%dma_wait3A_68 : memref<10000xf32, #tpu.memory_space<hbm>>) dst(%arg9 : memref<10000xf32, #tpu.memory_space<vmem>>)
    %dma_wait3A_69 = tpu.memref_slice %arg2[%mul3A_42] : memref<320000xf32, #tpu.memory_space<hbm>> -> memref<10000xf32, #tpu.memory_space<hbm>>
    %dma_wait3A_70 = tpu.memref_slice %arg2[%mul3A_42] : memref<320000xf32, #tpu.memory_space<hbm>> -> memref<10000xf32, #tpu.memory_space<hbm>>
    tpu.wait_dma2 semaphore(%arg15 : memref<!tpu.dma_semaphore, #tpu.memory_space<semaphore_mem>>) src(%dma_wait3A_70 : memref<10000xf32, #tpu.memory_space<hbm>>) dst(%arg10 : memref<10000xf32, #tpu.memory_space<vmem>>)
    %dma_wait3A_71 = tpu.memref_slice %arg2[%mul3A_48] : memref<320000xf32, #tpu.memory_space<hbm>> -> memref<10000xf32, #tpu.memory_space<hbm>>
    %dma_wait3A_72 = tpu.memref_slice %arg2[%mul3A_48] : memref<320000xf32, #tpu.memory_space<hbm>> -> memref<10000xf32, #tpu.memory_space<hbm>>
    tpu.wait_dma2 semaphore(%arg15 : memref<!tpu.dma_semaphore, #tpu.memory_space<semaphore_mem>>) src(%dma_wait3A_72 : memref<10000xf32, #tpu.memory_space<hbm>>) dst(%arg11 : memref<10000xf32, #tpu.memory_space<vmem>>)
    %dma_wait3A_73 = tpu.memref_slice %arg3[%mul3A_50] : memref<320000xi32, #tpu.memory_space<hbm>> -> memref<20000xi32, #tpu.memory_space<hbm>>
    %dma_wait3A_74 = tpu.memref_slice %arg3[%mul3A_50] : memref<320000xi32, #tpu.memory_space<hbm>> -> memref<20000xi32, #tpu.memory_space<hbm>>
    tpu.wait_dma2 semaphore(%arg15 : memref<!tpu.dma_semaphore, #tpu.memory_space<semaphore_mem>>) src(%dma_wait3A_74 : memref<20000xi32, #tpu.memory_space<hbm>>) dst(%arg6 : memref<20000xi32, #tpu.memory_space<vmem>>)
    %dma_wait3A_75 = tpu.memref_slice %arg3[%add3A_54] : memref<320000xi32, #tpu.memory_space<hbm>> -> memref<20000xi32, #tpu.memory_space<hbm>>
    %dma_wait3A_76 = tpu.memref_slice %arg3[%add3A_54] : memref<320000xi32, #tpu.memory_space<hbm>> -> memref<20000xi32, #tpu.memory_space<hbm>>
    tpu.wait_dma2 semaphore(%arg15 : memref<!tpu.dma_semaphore, #tpu.memory_space<semaphore_mem>>) src(%dma_wait3A_76 : memref<20000xi32, #tpu.memory_space<hbm>>) dst(%arg7 : memref<20000xi32, #tpu.memory_space<vmem>>)
    tpu.wait_dma2 semaphore(%arg15 : memref<!tpu.dma_semaphore, #tpu.memory_space<semaphore_mem>>) src(%arg4 : memref<10000xf32, #tpu.memory_space<hbm>>) dst(%arg12 : memref<10000xf32, #tpu.memory_space<vmem>>)
    tpu.wait_dma2 semaphore(%arg15 : memref<!tpu.dma_semaphore, #tpu.memory_space<semaphore_mem>>) src(%arg4 : memref<10000xf32, #tpu.memory_space<hbm>>) dst(%arg13 : memref<10000xf32, #tpu.memory_space<vmem>>)
    tpu.wait_dma2 semaphore(%arg15 : memref<!tpu.dma_semaphore, #tpu.memory_space<semaphore_mem>>) src(%arg4 : memref<10000xf32, #tpu.memory_space<hbm>>) dst(%arg14 : memref<10000xf32, #tpu.memory_space<vmem>>)
    %parallel_loop3A = arith.constant 0 : i32
    %parallel_loop3A_77 = arith.constant 1250 : i32
    %parallel_loop3A_78 = arith.constant 1 : i32
    scf.for %parallel_loop3A_97 = %parallel_loop3A to %parallel_loop3A_77 step %parallel_loop3A_78  : i32 {
      %parallel_loop3A_98 = arith.constant 16 : i32
      %parallel_loop3A_99 = arith.muli %parallel_loop3A_97, %parallel_loop3A_98 : i32
      %parallel_loop3A_100 = arith.index_cast %parallel_loop3A_99 : i32 to index
      %parallel_loop3A_101 = tpu.vector_load %arg6[%parallel_loop3A_100] {strides = array<i32>} : memref<20000xi32, #tpu.memory_space<vmem>>, vector<16xi32>,
      %parallel_loop3A_102 = arith.constant 16 : i32
      %parallel_loop3A_103 = arith.muli %parallel_loop3A_97, %parallel_loop3A_102 : i32
      %parallel_loop3A_104 = arith.index_cast %parallel_loop3A_103 : i32 to index
      %parallel_loop3A_105 = tpu.vector_load %arg7[%parallel_loop3A_104] {strides = array<i32>} : memref<20000xi32, #tpu.memory_space<vmem>>, vector<16xi32>,
      %parallel_loop3A_106 = tpu.vector_load_idx %arg8[%parallel_loop3A_101] : memref<10000xf32, #tpu.memory_space<vmem>>[vector<16xi32>], vector<16xf32>,
      %parallel_loop3A_107 = tpu.vector_load_idx %arg9[%parallel_loop3A_105] : memref<10000xf32, #tpu.memory_space<vmem>>[vector<16xi32>], vector<16xf32>,
      %parallel_loop3A_108 = tpu.vector_load_idx %arg10[%parallel_loop3A_101] : memref<10000xf32, #tpu.memory_space<vmem>>[vector<16xi32>], vector<16xf32>,
      %parallel_loop3A_109 = tpu.vector_load_idx %arg11[%parallel_loop3A_101] : memref<10000xf32, #tpu.memory_space<vmem>>[vector<16xi32>], vector<16xf32>,
      %parallel_loop3A_110 = arith.addf %parallel_loop3A_106, %parallel_loop3A_107 : vector<16xf32>
      %parallel_loop3A_111 = arith.constant 0.000000e+00 : f32
      %parallel_loop3A_112 = vector.broadcast %parallel_loop3A_111 : f32 to vector<16xf32>
      %parallel_loop3A_113 = arith.cmpf oge, %parallel_loop3A_110, %parallel_loop3A_112 : vector<16xf32>
      %parallel_loop3A_114 = arith.constant 2.000000e-01 : f32
      %parallel_loop3A_115 = vector.broadcast %parallel_loop3A_114 : f32 to vector<16xf32>
      %parallel_loop3A_116 = arith.mulf %parallel_loop3A_115, %parallel_loop3A_110 : vector<16xf32>
      %parallel_loop3A_117 = arith.select %parallel_loop3A_113, %parallel_loop3A_110, %parallel_loop3A_116 : vector<16xi1>, vector<16xf32>
      %parallel_loop3A_118 = math.exp %parallel_loop3A_117 : vector<16xf32>
      tpu.vector_store_idx %arg12[%parallel_loop3A_105], %parallel_loop3A_118 {add = true} : memref<10000xf32, #tpu.memory_space<vmem>>[vector<16xi32>], vector<16xf32>,
      %parallel_loop3A_119 = arith.mulf %parallel_loop3A_118, %parallel_loop3A_108 : vector<16xf32>
      tpu.vector_store_idx %arg13[%parallel_loop3A_105], %parallel_loop3A_119 {add = true} : memref<10000xf32, #tpu.memory_space<vmem>>[vector<16xi32>], vector<16xf32>,
      %parallel_loop3A_120 = arith.mulf %parallel_loop3A_118, %parallel_loop3A_109 : vector<16xf32>
      tpu.vector_store_idx %arg14[%parallel_loop3A_105], %parallel_loop3A_120 {add = true} : memref<10000xf32, #tpu.memory_space<vmem>>[vector<16xi32>], vector<16xf32>,
    } {sc.loop_unroll_factor = 8 : i64, sc.parallel_access}
    %mul3A_79 = arith.constant 3 : i32
    %mul3A_80 = arith.muli %add3A, %mul3A_79 : i32
    %add3A_81 = arith.constant 0 : i32
    %add3A_82 = arith.addi %mul3A_80, %add3A_81 : i32
    %mul3A_83 = arith.constant 10000 : i32
    %mul3A_84 = arith.muli %add3A_82, %mul3A_83 : i32
    "tpu.region"() ({
      %run_scoped3A = tpu.sem_alloc : memref<!tpu.dma_semaphore, #tpu.memory_space<semaphore_mem>>
      %dma_start3A_97 = tpu.memref_slice %arg5[%mul3A_84] : memref<960000xf32, #tpu.memory_space<hbm>> -> memref<10000xf32, #tpu.memory_space<hbm>>
      %dma_start3A_98 = tpu.memref_slice %arg5[%mul3A_84] : memref<960000xf32, #tpu.memory_space<hbm>> -> memref<10000xf32, #tpu.memory_space<hbm>>
      tpu.enqueue_dma source(%arg12 : memref<10000xf32, #tpu.memory_space<vmem>>) target(%dma_start3A_98 : memref<10000xf32, #tpu.memory_space<hbm>>) target_semaphore(%run_scoped3A : memref<!tpu.dma_semaphore, #tpu.memory_space<semaphore_mem>>)
      %dma_wait3A_99 = tpu.memref_slice %arg5[%mul3A_84] : memref<960000xf32, #tpu.memory_space<hbm>> -> memref<10000xf32, #tpu.memory_space<hbm>>
      %dma_wait3A_100 = tpu.memref_slice %arg5[%mul3A_84] : memref<960000xf32, #tpu.memory_space<hbm>> -> memref<10000xf32, #tpu.memory_space<hbm>>
      tpu.wait_dma2 semaphore(%run_scoped3A : memref<!tpu.dma_semaphore, #tpu.memory_space<semaphore_mem>>) src(%arg12 : memref<10000xf32, #tpu.memory_space<vmem>>) dst(%dma_wait3A_100 : memref<10000xf32, #tpu.memory_space<hbm>>)
      tpu.yield
    }) : () -> ()
    %mul3A_85 = arith.constant 3 : i32
    %mul3A_86 = arith.muli %add3A, %mul3A_85 : i32
    %add3A_87 = arith.constant 1 : i32
    %add3A_88 = arith.addi %mul3A_86, %add3A_87 : i32
    %mul3A_89 = arith.constant 10000 : i32
    %mul3A_90 = arith.muli %add3A_88, %mul3A_89 : i32
    "tpu.region"() ({
      %run_scoped3A = tpu.sem_alloc : memref<!tpu.dma_semaphore, #tpu.memory_space<semaphore_mem>>
      %dma_start3A_97 = tpu.memref_slice %arg5[%mul3A_90] : memref<960000xf32, #tpu.memory_space<hbm>> -> memref<10000xf32, #tpu.memory_space<hbm>>
      %dma_start3A_98 = tpu.memref_slice %arg5[%mul3A_90] : memref<960000xf32, #tpu.memory_space<hbm>> -> memref<10000xf32, #tpu.memory_space<hbm>>
      tpu.enqueue_dma source(%arg13 : memref<10000xf32, #tpu.memory_space<vmem>>) target(%dma_start3A_98 : memref<10000xf32, #tpu.memory_space<hbm>>) target_semaphore(%run_scoped3A : memref<!tpu.dma_semaphore, #tpu.memory_space<semaphore_mem>>)
      %dma_wait3A_99 = tpu.memref_slice %arg5[%mul3A_90] : memref<960000xf32, #tpu.memory_space<hbm>> -> memref<10000xf32, #tpu.memory_space<hbm>>
      %dma_wait3A_100 = tpu.memref_slice %arg5[%mul3A_90] : memref<960000xf32, #tpu.memory_space<hbm>> -> memref<10000xf32, #tpu.memory_space<hbm>>
      tpu.wait_dma2 semaphore(%run_scoped3A : memref<!tpu.dma_semaphore, #tpu.memory_space<semaphore_mem>>) src(%arg13 : memref<10000xf32, #tpu.memory_space<vmem>>) dst(%dma_wait3A_100 : memref<10000xf32, #tpu.memory_space<hbm>>)
      tpu.yield
    }) : () -> ()
    %mul3A_91 = arith.constant 3 : i32
    %mul3A_92 = arith.muli %add3A, %mul3A_91 : i32
    %add3A_93 = arith.constant 2 : i32
    %add3A_94 = arith.addi %mul3A_92, %add3A_93 : i32
    %mul3A_95 = arith.constant 10000 : i32
    %mul3A_96 = arith.muli %add3A_94, %mul3A_95 : i32
    "tpu.region"() ({
      %run_scoped3A = tpu.sem_alloc : memref<!tpu.dma_semaphore, #tpu.memory_space<semaphore_mem>>
      %dma_start3A_97 = tpu.memref_slice %arg5[%mul3A_96] : memref<960000xf32, #tpu.memory_space<hbm>> -> memref<10000xf32, #tpu.memory_space<hbm>>
      %dma_start3A_98 = tpu.memref_slice %arg5[%mul3A_96] : memref<960000xf32, #tpu.memory_space<hbm>> -> memref<10000xf32, #tpu.memory_space<hbm>>
      tpu.enqueue_dma source(%arg14 : memref<10000xf32, #tpu.memory_space<vmem>>) target(%dma_start3A_98 : memref<10000xf32, #tpu.memory_space<hbm>>) target_semaphore(%run_scoped3A : memref<!tpu.dma_semaphore, #tpu.memory_space<semaphore_mem>>)
      %dma_wait3A_99 = tpu.memref_slice %arg5[%mul3A_96] : memref<960000xf32, #tpu.memory_space<hbm>> -> memref<10000xf32, #tpu.memory_space<hbm>>
      %dma_wait3A_100 = tpu.memref_slice %arg5[%mul3A_96] : memref<960000xf32, #tpu.memory_space<hbm>> -> memref<10000xf32, #tpu.memory_space<hbm>>
      tpu.wait_dma2 semaphore(%run_scoped3A : memref<!tpu.dma_semaphore, #tpu.memory_space<semaphore_mem>>) src(%arg14 : memref<10000xf32, #tpu.memory_space<vmem>>) dst(%dma_wait3A_100 : memref<10000xf32, #tpu.memory_space<hbm>>)
      tpu.yield
    }) : () -> ()
    return
  }
}

module attributes {stable_mosaic.version = 14 : i64} {
  func.func @_colsum_body(%arg0: i32, %arg1: memref<400x2614xf32, #tpu.memory_space<vmem>>, %arg2: memref<1x2614xf32, #tpu.memory_space<vmem>>) attributes {dimension_semantics = [#tpu.dimension_semantics<arbitrary>], iteration_bounds = array<i64: 25>, scalar_prefetch = 0 : i64, scratch_operands = 0 : i64, tpu.core_type = #tpu.core_type<tc>, window_params = [{transform_indices = @transform_0, window_bounds = array<i64: 400, 2614>}, {pipeline_mode = #tpu.pipeline_mode<synchronous>, transform_indices = @transform_1, window_bounds = array<i64: 1, 2614>}]} {
    %eq3A = arith.constant 0 : i32
    %eq3A_0 = arith.cmpi eq, %arg0, %eq3A : i32
    %convert_element_type3A = arith.extui %eq3A_0 : i1 to i32
    %cond3A = arith.constant 0 : i32
    %cond3A_1 = arith.cmpi ne, %convert_element_type3A, %cond3A : i32
    scf.if %cond3A_1 {
      %broadcast_in_dim3A_10 = arith.constant 0.000000e+00 : f32
      %broadcast_in_dim3A_11 = vector.broadcast %broadcast_in_dim3A_10 : f32 to vector<1x2614xf32>
      %swap3A_12 = arith.constant 0 : index
      %swap3A_13 = arith.constant 0 : index
      %swap3A_14 = vector.load %arg2[%swap3A_12, %swap3A_13] : memref<1x2614xf32, #tpu.memory_space<vmem>>, vector<1x2614xf32>
      tpu.vector_store %arg2[%swap3A_12, %swap3A_13], %broadcast_in_dim3A_11 {strides = array<i32>} : memref<1x2614xf32, #tpu.memory_space<vmem>>, vector<1x2614xf32>,
    } else {
    }
    %get3A = arith.constant 0 : index
    %get3A_2 = arith.constant 0 : index
    %get3A_3 = vector.load %arg2[%get3A, %get3A_2] : memref<1x2614xf32, #tpu.memory_space<vmem>>, vector<1x2614xf32>
    %get3A_4 = arith.constant 0 : index
    %get3A_5 = arith.constant 0 : index
    %get3A_6 = vector.load %arg1[%get3A_4, %get3A_5] : memref<400x2614xf32, #tpu.memory_space<vmem>>, vector<400x2614xf32>
    %reduce_sum3A = arith.constant dense<0.000000e+00> : vector<2614xf32>
    %reduce_sum3A_7 = vector.multi_reduction <add>, %get3A_6, %reduce_sum3A [0] : vector<400x2614xf32> to vector<2614xf32>
    %broadcast_in_dim3A = vector.shape_cast %reduce_sum3A_7 : vector<2614xf32> to vector<1x2614xf32>
    %add3A = arith.addf %get3A_3, %broadcast_in_dim3A : vector<1x2614xf32>
    %swap3A = arith.constant 0 : index
    %swap3A_8 = arith.constant 0 : index
    %swap3A_9 = vector.load %arg2[%swap3A, %swap3A_8] : memref<1x2614xf32, #tpu.memory_space<vmem>>, vector<1x2614xf32>
    tpu.vector_store %arg2[%swap3A, %swap3A_8], %add3A {strides = array<i32>} : memref<1x2614xf32, #tpu.memory_space<vmem>>, vector<1x2614xf32>,
    return
  }
  func.func @transform_0(%arg0: i32) -> (i32, i32) {
    %c0_i32 = arith.constant 0 : i32
    %c0_i32_0 = arith.constant 0 : i32
    return %arg0, %c0_i32 : i32, i32
  }
  func.func @transform_1(%arg0: i32) -> (i32, i32) {
    %c0_i32 = arith.constant 0 : i32
    %c0_i32_0 = arith.constant 0 : i32
    %c0_i32_1 = arith.constant 0 : i32
    return %c0_i32, %c0_i32_0 : i32, i32
  }
}

module attributes {stable_mosaic.version = 14 : i64} {
  func.func @_wb_body(%arg0: memref<1x2614xf32, #tpu.memory_space<vmem>>, %arg1: memref<163x2614xf32, #tpu.memory_space<vmem>>, %arg2: memref<1x163xf32, #tpu.memory_space<vmem>>, %arg3: memref<2614x163xf32, #tpu.memory_space<vmem>>, %arg4: memref<1x2614xf32, #tpu.memory_space<vmem>>, %arg5: memref<512x2614xf32, #tpu.memory_space<vmem>>, %arg6: memref<4x128xf32, #tpu.memory_space<vmem>>, %arg7: memref<4x128xf32, #tpu.memory_space<vmem>>, %arg8: memref<2x512xf32, #tpu.memory_space<vmem>>, %arg9: memref<2x2614xf32, #tpu.memory_space<vmem>>, %arg10: memref<32x2614xf32, #tpu.memory_space<vmem>>) attributes {dimension_semantics = [], scalar_prefetch = 0 : i64, scratch_operands = 0 : i64, tpu.core_type = #tpu.core_type<tc>} {
    %get3A = arith.constant 0 : index
    %get3A_0 = arith.constant 0 : index
    %get3A_1 = vector.load %arg0[%get3A, %get3A_0] : memref<1x2614xf32, #tpu.memory_space<vmem>>, vector<1x2614xf32>
    %mul3A = arith.constant 9.99999974E-5 : f32
    %mul3A_2 = vector.broadcast %mul3A : f32 to vector<1x2614xf32>
    %mul3A_3 = arith.mulf %get3A_1, %mul3A_2 : vector<1x2614xf32>
    %get3A_4 = arith.constant 0 : index
    %get3A_5 = arith.constant 0 : index
    %get3A_6 = vector.load %arg1[%get3A_4, %get3A_5] : memref<163x2614xf32, #tpu.memory_space<vmem>>, vector<163x2614xf32>
    %dot_general3A = arith.constant dense<0.000000e+00> : vector<1x163xf32>
    %dot_general3A_7 = tpu.matmul %mul3A_3, %get3A_6, %dot_general3A {dimension_numbers = #tpu.dot_dimension_numbers<[1], [1], [0], [0], [0, 0, 1, 0], [], []>, transpose_lhs_hint = false} : vector<1x2614xf32>, vector<163x2614xf32>, vector<1x163xf32> -> vector<1x163xf32>
    %get3A_8 = arith.constant 0 : index
    %get3A_9 = arith.constant 0 : index
    %get3A_10 = vector.load %arg2[%get3A_8, %get3A_9] : memref<1x163xf32, #tpu.memory_space<vmem>>, vector<1x163xf32>
    %add3A = arith.addf %dot_general3A_7, %get3A_10 : vector<1x163xf32>
    %max3A = arith.constant 0.000000e+00 : f32
    %max3A_11 = vector.broadcast %max3A : f32 to vector<1x163xf32>
    %max3A_12 = arith.maximumf %add3A, %max3A_11 : vector<1x163xf32>
    %get3A_13 = arith.constant 0 : index
    %get3A_14 = arith.constant 0 : index
    %get3A_15 = vector.load %arg3[%get3A_13, %get3A_14] : memref<2614x163xf32, #tpu.memory_space<vmem>>, vector<2614x163xf32>
    %dot_general3A_16 = arith.constant dense<0.000000e+00> : vector<1x2614xf32>
    %dot_general3A_17 = tpu.matmul %max3A_12, %get3A_15, %dot_general3A_16 {dimension_numbers = #tpu.dot_dimension_numbers<[1], [1], [0], [0], [0, 0, 1, 0], [], []>, transpose_lhs_hint = false} : vector<1x163xf32>, vector<2614x163xf32>, vector<1x2614xf32> -> vector<1x2614xf32>
    %get3A_18 = arith.constant 0 : index
    %get3A_19 = arith.constant 0 : index
    %get3A_20 = vector.load %arg4[%get3A_18, %get3A_19] : memref<1x2614xf32, #tpu.memory_space<vmem>>, vector<1x2614xf32>
    %add3A_21 = arith.addf %dot_general3A_17, %get3A_20 : vector<1x2614xf32>
    %logistic3A = arith.negf %add3A_21 : vector<1x2614xf32>
    %logistic3A_22 = math.exp %logistic3A : vector<1x2614xf32>
    %logistic3A_23 = arith.constant 1.000000e+00 : f32
    %logistic3A_24 = vector.broadcast %logistic3A_23 : f32 to vector<1x2614xf32>
    %logistic3A_25 = arith.addf %logistic3A_24, %logistic3A_22 : vector<1x2614xf32>
    %logistic3A_26 = arith.divf %logistic3A_24, %logistic3A_25 : vector<1x2614xf32>
    %get3A_27 = arith.constant 0 : index
    %get3A_28 = arith.constant 0 : index
    %get3A_29 = vector.load %arg5[%get3A_27, %get3A_28] : memref<512x2614xf32, #tpu.memory_space<vmem>>, vector<128x2614xf32>
    %get3A_30 = arith.constant 0 : index
    %get3A_31 = arith.constant 0 : index
    %get3A_32 = vector.load %arg6[%get3A_30, %get3A_31] : memref<4x128xf32, #tpu.memory_space<vmem>>, vector<1x128xf32>
    %dot_general3A_33 = arith.constant dense<0.000000e+00> : vector<1x2614xf32>
    %dot_general3A_34 = tpu.matmul %get3A_32, %get3A_29, %dot_general3A_33 {dimension_numbers = #tpu.dot_dimension_numbers<[1], [0], [0], [1], [0, 0, 1, 1], [], []>, transpose_lhs_hint = false} : vector<1x128xf32>, vector<128x2614xf32>, vector<1x2614xf32> -> vector<1x2614xf32>
    %get3A_35 = arith.constant 128 : index
    %get3A_36 = arith.constant 0 : index
    %get3A_37 = vector.load %arg5[%get3A_35, %get3A_36] : memref<512x2614xf32, #tpu.memory_space<vmem>>, vector<128x2614xf32>
    %get3A_38 = arith.constant 1 : index
    %get3A_39 = arith.constant 0 : index
    %get3A_40 = vector.load %arg6[%get3A_38, %get3A_39] : memref<4x128xf32, #tpu.memory_space<vmem>>, vector<1x128xf32>
    %dot_general3A_41 = arith.constant dense<0.000000e+00> : vector<1x2614xf32>
    %dot_general3A_42 = tpu.matmul %get3A_40, %get3A_37, %dot_general3A_41 {dimension_numbers = #tpu.dot_dimension_numbers<[1], [0], [0], [1], [0, 0, 1, 1], [], []>, transpose_lhs_hint = false} : vector<1x128xf32>, vector<128x2614xf32>, vector<1x2614xf32> -> vector<1x2614xf32>
    %get3A_43 = arith.constant 256 : index
    %get3A_44 = arith.constant 0 : index
    %get3A_45 = vector.load %arg5[%get3A_43, %get3A_44] : memref<512x2614xf32, #tpu.memory_space<vmem>>, vector<128x2614xf32>
    %get3A_46 = arith.constant 2 : index
    %get3A_47 = arith.constant 0 : index
    %get3A_48 = vector.load %arg6[%get3A_46, %get3A_47] : memref<4x128xf32, #tpu.memory_space<vmem>>, vector<1x128xf32>
    %dot_general3A_49 = arith.constant dense<0.000000e+00> : vector<1x2614xf32>
    %dot_general3A_50 = tpu.matmul %get3A_48, %get3A_45, %dot_general3A_49 {dimension_numbers = #tpu.dot_dimension_numbers<[1], [0], [0], [1], [0, 0, 1, 1], [], []>, transpose_lhs_hint = false} : vector<1x128xf32>, vector<128x2614xf32>, vector<1x2614xf32> -> vector<1x2614xf32>
    %get3A_51 = arith.constant 384 : index
    %get3A_52 = arith.constant 0 : index
    %get3A_53 = vector.load %arg5[%get3A_51, %get3A_52] : memref<512x2614xf32, #tpu.memory_space<vmem>>, vector<128x2614xf32>
    %get3A_54 = arith.constant 3 : index
    %get3A_55 = arith.constant 0 : index
    %get3A_56 = vector.load %arg6[%get3A_54, %get3A_55] : memref<4x128xf32, #tpu.memory_space<vmem>>, vector<1x128xf32>
    %dot_general3A_57 = arith.constant dense<0.000000e+00> : vector<1x2614xf32>
    %dot_general3A_58 = tpu.matmul %get3A_56, %get3A_53, %dot_general3A_57 {dimension_numbers = #tpu.dot_dimension_numbers<[1], [0], [0], [1], [0, 0, 1, 1], [], []>, transpose_lhs_hint = false} : vector<1x128xf32>, vector<128x2614xf32>, vector<1x2614xf32> -> vector<1x2614xf32>
    %get3A_59 = arith.constant 0 : index
    %get3A_60 = arith.constant 0 : index
    %get3A_61 = vector.load %arg5[%get3A_59, %get3A_60] : memref<512x2614xf32, #tpu.memory_space<vmem>>, vector<128x2614xf32>
    %get3A_62 = arith.constant 0 : index
    %get3A_63 = arith.constant 0 : index
    %get3A_64 = vector.load %arg7[%get3A_62, %get3A_63] : memref<4x128xf32, #tpu.memory_space<vmem>>, vector<1x128xf32>
    %dot_general3A_65 = arith.constant dense<0.000000e+00> : vector<1x2614xf32>
    %dot_general3A_66 = tpu.matmul %get3A_64, %get3A_61, %dot_general3A_65 {dimension_numbers = #tpu.dot_dimension_numbers<[1], [0], [0], [1], [0, 0, 1, 1], [], []>, transpose_lhs_hint = false} : vector<1x128xf32>, vector<128x2614xf32>, vector<1x2614xf32> -> vector<1x2614xf32>
    %get3A_67 = arith.constant 128 : index
    %get3A_68 = arith.constant 0 : index
    %get3A_69 = vector.load %arg5[%get3A_67, %get3A_68] : memref<512x2614xf32, #tpu.memory_space<vmem>>, vector<128x2614xf32>
    %get3A_70 = arith.constant 1 : index
    %get3A_71 = arith.constant 0 : index
    %get3A_72 = vector.load %arg7[%get3A_70, %get3A_71] : memref<4x128xf32, #tpu.memory_space<vmem>>, vector<1x128xf32>
    %dot_general3A_73 = arith.constant dense<0.000000e+00> : vector<1x2614xf32>
    %dot_general3A_74 = tpu.matmul %get3A_72, %get3A_69, %dot_general3A_73 {dimension_numbers = #tpu.dot_dimension_numbers<[1], [0], [0], [1], [0, 0, 1, 1], [], []>, transpose_lhs_hint = false} : vector<1x128xf32>, vector<128x2614xf32>, vector<1x2614xf32> -> vector<1x2614xf32>
    %get3A_75 = arith.constant 256 : index
    %get3A_76 = arith.constant 0 : index
    %get3A_77 = vector.load %arg5[%get3A_75, %get3A_76] : memref<512x2614xf32, #tpu.memory_space<vmem>>, vector<128x2614xf32>
    %get3A_78 = arith.constant 2 : index
    %get3A_79 = arith.constant 0 : index
    %get3A_80 = vector.load %arg7[%get3A_78, %get3A_79] : memref<4x128xf32, #tpu.memory_space<vmem>>, vector<1x128xf32>
    %dot_general3A_81 = arith.constant dense<0.000000e+00> : vector<1x2614xf32>
    %dot_general3A_82 = tpu.matmul %get3A_80, %get3A_77, %dot_general3A_81 {dimension_numbers = #tpu.dot_dimension_numbers<[1], [0], [0], [1], [0, 0, 1, 1], [], []>, transpose_lhs_hint = false} : vector<1x128xf32>, vector<128x2614xf32>, vector<1x2614xf32> -> vector<1x2614xf32>
    %get3A_83 = arith.constant 384 : index
    %get3A_84 = arith.constant 0 : index
    %get3A_85 = vector.load %arg5[%get3A_83, %get3A_84] : memref<512x2614xf32, #tpu.memory_space<vmem>>, vector<128x2614xf32>
    %get3A_86 = arith.constant 3 : index
    %get3A_87 = arith.constant 0 : index
    %get3A_88 = vector.load %arg7[%get3A_86, %get3A_87] : memref<4x128xf32, #tpu.memory_space<vmem>>, vector<1x128xf32>
    %dot_general3A_89 = arith.constant dense<0.000000e+00> : vector<1x2614xf32>
    %dot_general3A_90 = tpu.matmul %get3A_88, %get3A_85, %dot_general3A_89 {dimension_numbers = #tpu.dot_dimension_numbers<[1], [0], [0], [1], [0, 0, 1, 1], [], []>, transpose_lhs_hint = false} : vector<1x128xf32>, vector<128x2614xf32>, vector<1x2614xf32> -> vector<1x2614xf32>
    %get3A_91 = arith.constant 0 : index
    %get3A_92 = arith.constant 0 : index
    %get3A_93 = vector.load %arg5[%get3A_91, %get3A_92] : memref<512x2614xf32, #tpu.memory_space<vmem>>, vector<128x2614xf32>
    %get3A_94 = arith.constant 0 : index
    %get3A_95 = arith.constant 0 : index
    %get3A_96 = vector.load %arg8[%get3A_94, %get3A_95] : memref<2x512xf32, #tpu.memory_space<vmem>>, vector<1x128xf32>
    %dot_general3A_97 = arith.constant dense<0.000000e+00> : vector<1x2614xf32>
    %dot_general3A_98 = tpu.matmul %get3A_96, %get3A_93, %dot_general3A_97 {dimension_numbers = #tpu.dot_dimension_numbers<[1], [0], [0], [1], [0, 0, 1, 1], [], []>, transpose_lhs_hint = false} : vector<1x128xf32>, vector<128x2614xf32>, vector<1x2614xf32> -> vector<1x2614xf32>
    %get3A_99 = arith.constant 1 : index
    %get3A_100 = arith.constant 0 : index
    %get3A_101 = vector.load %arg8[%get3A_99, %get3A_100] : memref<2x512xf32, #tpu.memory_space<vmem>>, vector<1x128xf32>
    %dot_general3A_102 = arith.constant dense<0.000000e+00> : vector<1x2614xf32>
    %dot_general3A_103 = tpu.matmul %get3A_101, %get3A_93, %dot_general3A_102 {dimension_numbers = #tpu.dot_dimension_numbers<[1], [0], [0], [1], [0, 0, 1, 1], [], []>, transpose_lhs_hint = false} : vector<1x128xf32>, vector<128x2614xf32>, vector<1x2614xf32> -> vector<1x2614xf32>
    %get3A_104 = arith.constant 128 : index
    %get3A_105 = arith.constant 0 : index
    %get3A_106 = vector.load %arg5[%get3A_104, %get3A_105] : memref<512x2614xf32, #tpu.memory_space<vmem>>, vector<128x2614xf32>
    %get3A_107 = arith.constant 0 : index
    %get3A_108 = arith.constant 128 : index
    %get3A_109 = vector.load %arg8[%get3A_107, %get3A_108] : memref<2x512xf32, #tpu.memory_space<vmem>>, vector<1x128xf32>
    %dot_general3A_110 = arith.constant dense<0.000000e+00> : vector<1x2614xf32>
    %dot_general3A_111 = tpu.matmul %get3A_109, %get3A_106, %dot_general3A_110 {dimension_numbers = #tpu.dot_dimension_numbers<[1], [0], [0], [1], [0, 0, 1, 1], [], []>, transpose_lhs_hint = false} : vector<1x128xf32>, vector<128x2614xf32>, vector<1x2614xf32> -> vector<1x2614xf32>
    %get3A_112 = arith.constant 1 : index
    %get3A_113 = arith.constant 128 : index
    %get3A_114 = vector.load %arg8[%get3A_112, %get3A_113] : memref<2x512xf32, #tpu.memory_space<vmem>>, vector<1x128xf32>
    %dot_general3A_115 = arith.constant dense<0.000000e+00> : vector<1x2614xf32>
    %dot_general3A_116 = tpu.matmul %get3A_114, %get3A_106, %dot_general3A_115 {dimension_numbers = #tpu.dot_dimension_numbers<[1], [0], [0], [1], [0, 0, 1, 1], [], []>, transpose_lhs_hint = false} : vector<1x128xf32>, vector<128x2614xf32>, vector<1x2614xf32> -> vector<1x2614xf32>
    %get3A_117 = arith.constant 256 : index
    %get3A_118 = arith.constant 0 : index
    %get3A_119 = vector.load %arg5[%get3A_117, %get3A_118] : memref<512x2614xf32, #tpu.memory_space<vmem>>, vector<128x2614xf32>
    %get3A_120 = arith.constant 0 : index
    %get3A_121 = arith.constant 256 : index
    %get3A_122 = vector.load %arg8[%get3A_120, %get3A_121] : memref<2x512xf32, #tpu.memory_space<vmem>>, vector<1x128xf32>
    %dot_general3A_123 = arith.constant dense<0.000000e+00> : vector<1x2614xf32>
    %dot_general3A_124 = tpu.matmul %get3A_122, %get3A_119, %dot_general3A_123 {dimension_numbers = #tpu.dot_dimension_numbers<[1], [0], [0], [1], [0, 0, 1, 1], [], []>, transpose_lhs_hint = false} : vector<1x128xf32>, vector<128x2614xf32>, vector<1x2614xf32> -> vector<1x2614xf32>
    %get3A_125 = arith.constant 1 : index
    %get3A_126 = arith.constant 256 : index
    %get3A_127 = vector.load %arg8[%get3A_125, %get3A_126] : memref<2x512xf32, #tpu.memory_space<vmem>>, vector<1x128xf32>
    %dot_general3A_128 = arith.constant dense<0.000000e+00> : vector<1x2614xf32>
    %dot_general3A_129 = tpu.matmul %get3A_127, %get3A_119, %dot_general3A_128 {dimension_numbers = #tpu.dot_dimension_numbers<[1], [0], [0], [1], [0, 0, 1, 1], [], []>, transpose_lhs_hint = false} : vector<1x128xf32>, vector<128x2614xf32>, vector<1x2614xf32> -> vector<1x2614xf32>
    %get3A_130 = arith.constant 384 : index
    %get3A_131 = arith.constant 0 : index
    %get3A_132 = vector.load %arg5[%get3A_130, %get3A_131] : memref<512x2614xf32, #tpu.memory_space<vmem>>, vector<128x2614xf32>
    %get3A_133 = arith.constant 0 : index
    %get3A_134 = arith.constant 384 : index
    %get3A_135 = vector.load %arg8[%get3A_133, %get3A_134] : memref<2x512xf32, #tpu.memory_space<vmem>>, vector<1x128xf32>
    %dot_general3A_136 = arith.constant dense<0.000000e+00> : vector<1x2614xf32>
    %dot_general3A_137 = tpu.matmul %get3A_135, %get3A_132, %dot_general3A_136 {dimension_numbers = #tpu.dot_dimension_numbers<[1], [0], [0], [1], [0, 0, 1, 1], [], []>, transpose_lhs_hint = false} : vector<1x128xf32>, vector<128x2614xf32>, vector<1x2614xf32> -> vector<1x2614xf32>
    %get3A_138 = arith.constant 1 : index
    %get3A_139 = arith.constant 384 : index
    %get3A_140 = vector.load %arg8[%get3A_138, %get3A_139] : memref<2x512xf32, #tpu.memory_space<vmem>>, vector<1x128xf32>
    %dot_general3A_141 = arith.constant dense<0.000000e+00> : vector<1x2614xf32>
    %dot_general3A_142 = tpu.matmul %get3A_140, %get3A_132, %dot_general3A_141 {dimension_numbers = #tpu.dot_dimension_numbers<[1], [0], [0], [1], [0, 0, 1, 1], [], []>, transpose_lhs_hint = false} : vector<1x128xf32>, vector<128x2614xf32>, vector<1x2614xf32> -> vector<1x2614xf32>
    %get3A_143 = arith.constant 0 : index
    %get3A_144 = arith.constant 0 : index
    %get3A_145 = vector.load %arg9[%get3A_143, %get3A_144] : memref<2x2614xf32, #tpu.memory_space<vmem>>, vector<1x2614xf32>
    %get3A_146 = arith.constant 1 : index
    %get3A_147 = arith.constant 0 : index
    %get3A_148 = vector.load %arg9[%get3A_146, %get3A_147] : memref<2x2614xf32, #tpu.memory_space<vmem>>, vector<1x2614xf32>
    %concatenate3A = tpu.concatenate %dot_general3A_34, %dot_general3A_42, %dot_general3A_50, %dot_general3A_58, %dot_general3A_66, %dot_general3A_74, %dot_general3A_82, %dot_general3A_90, %dot_general3A_98, %dot_general3A_103, %dot_general3A_111, %dot_general3A_116, %dot_general3A_124, %dot_general3A_129, %dot_general3A_137, %dot_general3A_142, %get3A_145, %get3A_148 in 0 : vector<1x2614xf32>, vector<1x2614xf32>, vector<1x2614xf32>, vector<1x2614xf32>, vector<1x2614xf32>, vector<1x2614xf32>, vector<1x2614xf32>, vector<1x2614xf32>, vector<1x2614xf32>, vector<1x2614xf32>, vector<1x2614xf32>, vector<1x2614xf32>, vector<1x2614xf32>, vector<1x2614xf32>, vector<1x2614xf32>, vector<1x2614xf32>, vector<1x2614xf32>, vector<1x2614xf32> -> vector<18x2614xf32>
    %mul3A_149 = vector.broadcast %logistic3A_26 : vector<1x2614xf32> to vector<18x2614xf32>
    %mul3A_150 = arith.mulf %concatenate3A, %mul3A_149 : vector<18x2614xf32>
    %broadcast_in_dim3A = arith.constant 0.000000e+00 : f32
    %broadcast_in_dim3A_151 = vector.broadcast %broadcast_in_dim3A : f32 to vector<14x2614xf32>
    %concatenate3A_152 = tpu.concatenate %mul3A_150, %broadcast_in_dim3A_151 in 0 : vector<18x2614xf32>, vector<14x2614xf32> -> vector<32x2614xf32>
    %swap3A = arith.constant 0 : index
    %swap3A_153 = arith.constant 0 : index
    %swap3A_154 = vector.load %arg10[%swap3A, %swap3A_153] : memref<32x2614xf32, #tpu.memory_space<vmem>>, vector<32x2614xf32>
    tpu.vector_store %arg10[%swap3A, %swap3A_153], %concatenate3A_152 {strides = array<i32>} : memref<32x2614xf32, #tpu.memory_space<vmem>>, vector<32x2614xf32>,
    return
  }
}

module attributes {stable_mosaic.version = 14 : i64} {
  func.func @_mm_body(%arg0: i32, %arg1: memref<32x2614xf32, #tpu.memory_space<vmem>>, %arg2: memref<512x2614xf32, #tpu.memory_space<vmem>>, %arg3: memref<32x512xf32, #tpu.memory_space<vmem>>) attributes {dimension_semantics = [#tpu.dimension_semantics<arbitrary>], iteration_bounds = array<i64: 20>, scalar_prefetch = 0 : i64, scratch_operands = 0 : i64, tpu.core_type = #tpu.core_type<tc>, window_params = [{pipeline_mode = #tpu.pipeline_mode<synchronous>, transform_indices = @transform_0, window_bounds = array<i64: 32, 2614>}, {transform_indices = @transform_1, window_bounds = array<i64: 512, 2614>}, {transform_indices = @transform_2, window_bounds = array<i64: 32, 512>}]} {
    %get3A = arith.constant 0 : index
    %get3A_0 = arith.constant 0 : index
    %get3A_1 = vector.load %arg1[%get3A, %get3A_0] : memref<32x2614xf32, #tpu.memory_space<vmem>>, vector<32x2614xf32>
    %get3A_2 = arith.constant 0 : index
    %get3A_3 = arith.constant 0 : index
    %get3A_4 = vector.load %arg2[%get3A_2, %get3A_3] : memref<512x2614xf32, #tpu.memory_space<vmem>>, vector<512x2614xf32>
    %dot_general3A = arith.constant dense<0.000000e+00> : vector<32x512xf32>
    %dot_general3A_5 = tpu.matmul %get3A_1, %get3A_4, %dot_general3A {dimension_numbers = #tpu.dot_dimension_numbers<[1], [1], [0], [0], [0, 0, 1, 0], [], []>, transpose_lhs_hint = false} : vector<32x2614xf32>, vector<512x2614xf32>, vector<32x512xf32> -> vector<32x512xf32>
    %swap3A = arith.constant 0 : index
    %swap3A_6 = arith.constant 0 : index
    %swap3A_7 = vector.load %arg3[%swap3A, %swap3A_6] : memref<32x512xf32, #tpu.memory_space<vmem>>, vector<32x512xf32>
    tpu.vector_store %arg3[%swap3A, %swap3A_6], %dot_general3A_5 {strides = array<i32>} : memref<32x512xf32, #tpu.memory_space<vmem>>, vector<32x512xf32>,
    return
  }
  func.func @transform_0(%arg0: i32) -> (i32, i32) {
    %c0_i32 = arith.constant 0 : i32
    %c0_i32_0 = arith.constant 0 : i32
    %c0_i32_1 = arith.constant 0 : i32
    return %c0_i32, %c0_i32_0 : i32, i32
  }
  func.func @transform_1(%arg0: i32) -> (i32, i32) {
    %c0_i32 = arith.constant 0 : i32
    %c0_i32_0 = arith.constant 0 : i32
    return %arg0, %c0_i32 : i32, i32
  }
  func.func @transform_2(%arg0: i32) -> (i32, i32) {
    %c0_i32 = arith.constant 0 : i32
    %c0_i32_0 = arith.constant 0 : i32
    return %c0_i32, %arg0 : i32, i32
  }
}

module attributes {stable_mosaic.version = 14 : i64} {
  func.func @_comb_body(%arg0: i32, %arg1: memref<32x2048xf32, #tpu.memory_space<vmem>>, %arg2: memref<96x2048xf32, #tpu.memory_space<vmem>>, %arg3: memref<1x512xf32, #tpu.memory_space<vmem>>, %arg4: memref<2x512xf32, #tpu.memory_space<vmem>>, %arg5: memref<1x2xf32, #tpu.memory_space<vmem>>, %arg6: memref<2x2048xf32, #tpu.memory_space<vmem>>) attributes {dimension_semantics = [#tpu.dimension_semantics<arbitrary>], iteration_bounds = array<i64: 5>, scalar_prefetch = 0 : i64, scratch_operands = 0 : i64, tpu.core_type = #tpu.core_type<tc>, window_params = [{transform_indices = @transform_0, window_bounds = array<i64: 32, 2048>}, {transform_indices = @transform_1, window_bounds = array<i64: 96, 2048>}, {pipeline_mode = #tpu.pipeline_mode<synchronous>, transform_indices = @transform_2, window_bounds = array<i64: 1, 512>}, {pipeline_mode = #tpu.pipeline_mode<synchronous>, transform_indices = @transform_3, window_bounds = array<i64: 2, 512>}, {pipeline_mode = #tpu.pipeline_mode<synchronous>, transform_indices = @transform_4, window_bounds = array<i64: 1, 2>}, {transform_indices = @transform_5, window_bounds = array<i64: 2, 2048>}]} {
    %get3A = arith.constant 0 : index
    %get3A_0 = arith.constant 0 : index
    %get3A_1 = vector.load %arg3[%get3A, %get3A_0] : memref<1x512xf32, #tpu.memory_space<vmem>>, vector<1x512xf32>
    %get3A_2 = arith.constant 0 : index
    %get3A_3 = arith.constant 0 : index
    %get3A_4 = vector.load %arg4[%get3A_2, %get3A_3] : memref<2x512xf32, #tpu.memory_space<vmem>>, vector<1x512xf32>
    %mul3A = arith.mulf %get3A_1, %get3A_4 : vector<1x512xf32>
    %reduce_sum3A = vector.shape_cast %mul3A : vector<1x512xf32> to vector<1x1x512xf32>
    %reduce_sum3A_5 = arith.constant dense<0.000000e+00> : vector<1xf32>
    %reduce_sum3A_6 = vector.multi_reduction <add>, %reduce_sum3A, %reduce_sum3A_5 [1, 2] : vector<1x1x512xf32> to vector<1xf32>
    %reduce_sum3A_7 = vector.shape_cast %reduce_sum3A_6 : vector<1xf32> to vector<1x1x1xf32>
    %reduce_sum3A_8 = vector.extract %reduce_sum3A_7[0, 0, 0] : f32 from vector<1x1x1xf32>
    %get3A_9 = arith.constant 0 : index
    %get3A_10 = arith.constant 0 : index
    %get3A_11 = vector.load %arg5[%get3A_9, %get3A_10] : memref<1x2xf32, #tpu.memory_space<vmem>>, vector<1x1xf32>
    %get3A_12 = vector.extract %get3A_11[0, 0] : f32 from vector<1x1xf32>
    %add3A = arith.addf %reduce_sum3A_8, %get3A_12 : f32
    %get3A_13 = arith.constant 0 : index
    %get3A_14 = arith.constant 0 : index
    %get3A_15 = vector.load %arg3[%get3A_13, %get3A_14] : memref<1x512xf32, #tpu.memory_space<vmem>>, vector<1x512xf32>
    %get3A_16 = arith.constant 1 : index
    %get3A_17 = arith.constant 0 : index
    %get3A_18 = vector.load %arg4[%get3A_16, %get3A_17] : memref<2x512xf32, #tpu.memory_space<vmem>>, vector<1x512xf32>
    %mul3A_19 = arith.mulf %get3A_15, %get3A_18 : vector<1x512xf32>
    %reduce_sum3A_20 = vector.shape_cast %mul3A_19 : vector<1x512xf32> to vector<1x1x512xf32>
    %reduce_sum3A_21 = arith.constant dense<0.000000e+00> : vector<1xf32>
    %reduce_sum3A_22 = vector.multi_reduction <add>, %reduce_sum3A_20, %reduce_sum3A_21 [1, 2] : vector<1x1x512xf32> to vector<1xf32>
    %reduce_sum3A_23 = vector.shape_cast %reduce_sum3A_22 : vector<1xf32> to vector<1x1x1xf32>
    %reduce_sum3A_24 = vector.extract %reduce_sum3A_23[0, 0, 0] : f32 from vector<1x1x1xf32>
    %get3A_25 = arith.constant 0 : index
    %get3A_26 = arith.constant 1 : index
    %get3A_27 = vector.load %arg5[%get3A_25, %get3A_26] : memref<1x2xf32, #tpu.memory_space<vmem>>, vector<1x1xf32>
    %get3A_28 = vector.extract %get3A_27[0, 0] : f32 from vector<1x1xf32>
    %add3A_29 = arith.addf %reduce_sum3A_24, %get3A_28 : f32
    %get3A_30 = arith.constant 16 : index
    %get3A_31 = arith.constant 0 : index
    %get3A_32 = vector.load %arg1[%get3A_30, %get3A_31] : memref<32x2048xf32, #tpu.memory_space<vmem>>, vector<1x2048xf32>
    %add3A_33 = vector.broadcast %add3A : f32 to vector<1x2048xf32>
    %add3A_34 = arith.addf %get3A_32, %add3A_33 : vector<1x2048xf32>
    %get3A_35 = arith.constant 17 : index
    %get3A_36 = arith.constant 0 : index
    %get3A_37 = vector.load %arg1[%get3A_35, %get3A_36] : memref<32x2048xf32, #tpu.memory_space<vmem>>, vector<1x2048xf32>
    %add3A_38 = vector.broadcast %add3A_29 : f32 to vector<1x2048xf32>
    %add3A_39 = arith.addf %get3A_37, %add3A_38 : vector<1x2048xf32>
    %get3A_40 = arith.constant 0 : index
    %get3A_41 = arith.constant 0 : index
    %get3A_42 = vector.load %arg1[%get3A_40, %get3A_41] : memref<32x2048xf32, #tpu.memory_space<vmem>>, vector<1x2048xf32>
    %get3A_43 = arith.constant 4 : index
    %get3A_44 = arith.constant 0 : index
    %get3A_45 = vector.load %arg1[%get3A_43, %get3A_44] : memref<32x2048xf32, #tpu.memory_space<vmem>>, vector<1x2048xf32>
    %add3A_46 = arith.addf %get3A_42, %get3A_45 : vector<1x2048xf32>
    %ge3A = arith.constant 0.000000e+00 : f32
    %ge3A_47 = vector.broadcast %ge3A : f32 to vector<1x2048xf32>
    %ge3A_48 = arith.cmpf oge, %add3A_46, %ge3A_47 : vector<1x2048xf32>
    %mul3A_49 = arith.constant 2.000000e-01 : f32
    %mul3A_50 = vector.broadcast %mul3A_49 : f32 to vector<1x2048xf32>
    %mul3A_51 = arith.mulf %mul3A_50, %add3A_46 : vector<1x2048xf32>
    %select_n3A = arith.select %ge3A_48, %add3A_46, %mul3A_51 : vector<1x2048xi1>, vector<1x2048xf32>
    %exp3A = math.exp %select_n3A : vector<1x2048xf32>
    %get3A_52 = arith.constant 8 : index
    %get3A_53 = arith.constant 0 : index
    %get3A_54 = vector.load %arg1[%get3A_52, %get3A_53] : memref<32x2048xf32, #tpu.memory_space<vmem>>, vector<1x2048xf32>
    %get3A_55 = arith.constant 9 : index
    %get3A_56 = arith.constant 0 : index
    %get3A_57 = vector.load %arg1[%get3A_55, %get3A_56] : memref<32x2048xf32, #tpu.memory_space<vmem>>, vector<1x2048xf32>
    %mul3A_58 = arith.mulf %exp3A, %get3A_54 : vector<1x2048xf32>
    %mul3A_59 = arith.mulf %exp3A, %get3A_57 : vector<1x2048xf32>
    %get3A_60 = arith.constant 0 : index
    %get3A_61 = arith.constant 0 : index
    %get3A_62 = vector.load %arg2[%get3A_60, %get3A_61] : memref<96x2048xf32, #tpu.memory_space<vmem>>, vector<1x2048xf32>
    %add3A_63 = arith.addf %exp3A, %get3A_62 : vector<1x2048xf32>
    %get3A_64 = arith.constant 1 : index
    %get3A_65 = arith.constant 0 : index
    %get3A_66 = vector.load %arg2[%get3A_64, %get3A_65] : memref<96x2048xf32, #tpu.memory_space<vmem>>, vector<1x2048xf32>
    %add3A_67 = arith.addf %mul3A_58, %get3A_66 : vector<1x2048xf32>
    %get3A_68 = arith.constant 2 : index
    %get3A_69 = arith.constant 0 : index
    %get3A_70 = vector.load %arg2[%get3A_68, %get3A_69] : memref<96x2048xf32, #tpu.memory_space<vmem>>, vector<1x2048xf32>
    %add3A_71 = arith.addf %mul3A_59, %get3A_70 : vector<1x2048xf32>
    %get3A_72 = arith.constant 3 : index
    %get3A_73 = arith.constant 0 : index
    %get3A_74 = vector.load %arg2[%get3A_72, %get3A_73] : memref<96x2048xf32, #tpu.memory_space<vmem>>, vector<1x2048xf32>
    %add3A_75 = arith.addf %add3A_63, %get3A_74 : vector<1x2048xf32>
    %get3A_76 = arith.constant 4 : index
    %get3A_77 = arith.constant 0 : index
    %get3A_78 = vector.load %arg2[%get3A_76, %get3A_77] : memref<96x2048xf32, #tpu.memory_space<vmem>>, vector<1x2048xf32>
    %add3A_79 = arith.addf %add3A_67, %get3A_78 : vector<1x2048xf32>
    %get3A_80 = arith.constant 5 : index
    %get3A_81 = arith.constant 0 : index
    %get3A_82 = vector.load %arg2[%get3A_80, %get3A_81] : memref<96x2048xf32, #tpu.memory_space<vmem>>, vector<1x2048xf32>
    %add3A_83 = arith.addf %add3A_71, %get3A_82 : vector<1x2048xf32>
    %get3A_84 = arith.constant 6 : index
    %get3A_85 = arith.constant 0 : index
    %get3A_86 = vector.load %arg2[%get3A_84, %get3A_85] : memref<96x2048xf32, #tpu.memory_space<vmem>>, vector<1x2048xf32>
    %add3A_87 = arith.addf %add3A_75, %get3A_86 : vector<1x2048xf32>
    %get3A_88 = arith.constant 7 : index
    %get3A_89 = arith.constant 0 : index
    %get3A_90 = vector.load %arg2[%get3A_88, %get3A_89] : memref<96x2048xf32, #tpu.memory_space<vmem>>, vector<1x2048xf32>
    %add3A_91 = arith.addf %add3A_79, %get3A_90 : vector<1x2048xf32>
    %get3A_92 = arith.constant 8 : index
    %get3A_93 = arith.constant 0 : index
    %get3A_94 = vector.load %arg2[%get3A_92, %get3A_93] : memref<96x2048xf32, #tpu.memory_space<vmem>>, vector<1x2048xf32>
    %add3A_95 = arith.addf %add3A_83, %get3A_94 : vector<1x2048xf32>
    %get3A_96 = arith.constant 9 : index
    %get3A_97 = arith.constant 0 : index
    %get3A_98 = vector.load %arg2[%get3A_96, %get3A_97] : memref<96x2048xf32, #tpu.memory_space<vmem>>, vector<1x2048xf32>
    %add3A_99 = arith.addf %add3A_87, %get3A_98 : vector<1x2048xf32>
    %get3A_100 = arith.constant 10 : index
    %get3A_101 = arith.constant 0 : index
    %get3A_102 = vector.load %arg2[%get3A_100, %get3A_101] : memref<96x2048xf32, #tpu.memory_space<vmem>>, vector<1x2048xf32>
    %add3A_103 = arith.addf %add3A_91, %get3A_102 : vector<1x2048xf32>
    %get3A_104 = arith.constant 11 : index
    %get3A_105 = arith.constant 0 : index
    %get3A_106 = vector.load %arg2[%get3A_104, %get3A_105] : memref<96x2048xf32, #tpu.memory_space<vmem>>, vector<1x2048xf32>
    %add3A_107 = arith.addf %add3A_95, %get3A_106 : vector<1x2048xf32>
    %get3A_108 = arith.constant 12 : index
    %get3A_109 = arith.constant 0 : index
    %get3A_110 = vector.load %arg2[%get3A_108, %get3A_109] : memref<96x2048xf32, #tpu.memory_space<vmem>>, vector<1x2048xf32>
    %add3A_111 = arith.addf %add3A_99, %get3A_110 : vector<1x2048xf32>
    %get3A_112 = arith.constant 13 : index
    %get3A_113 = arith.constant 0 : index
    %get3A_114 = vector.load %arg2[%get3A_112, %get3A_113] : memref<96x2048xf32, #tpu.memory_space<vmem>>, vector<1x2048xf32>
    %add3A_115 = arith.addf %add3A_103, %get3A_114 : vector<1x2048xf32>
    %get3A_116 = arith.constant 14 : index
    %get3A_117 = arith.constant 0 : index
    %get3A_118 = vector.load %arg2[%get3A_116, %get3A_117] : memref<96x2048xf32, #tpu.memory_space<vmem>>, vector<1x2048xf32>
    %add3A_119 = arith.addf %add3A_107, %get3A_118 : vector<1x2048xf32>
    %get3A_120 = arith.constant 15 : index
    %get3A_121 = arith.constant 0 : index
    %get3A_122 = vector.load %arg2[%get3A_120, %get3A_121] : memref<96x2048xf32, #tpu.memory_space<vmem>>, vector<1x2048xf32>
    %add3A_123 = arith.addf %add3A_111, %get3A_122 : vector<1x2048xf32>
    %get3A_124 = arith.constant 16 : index
    %get3A_125 = arith.constant 0 : index
    %get3A_126 = vector.load %arg2[%get3A_124, %get3A_125] : memref<96x2048xf32, #tpu.memory_space<vmem>>, vector<1x2048xf32>
    %add3A_127 = arith.addf %add3A_115, %get3A_126 : vector<1x2048xf32>
    %get3A_128 = arith.constant 17 : index
    %get3A_129 = arith.constant 0 : index
    %get3A_130 = vector.load %arg2[%get3A_128, %get3A_129] : memref<96x2048xf32, #tpu.memory_space<vmem>>, vector<1x2048xf32>
    %add3A_131 = arith.addf %add3A_119, %get3A_130 : vector<1x2048xf32>
    %get3A_132 = arith.constant 18 : index
    %get3A_133 = arith.constant 0 : index
    %get3A_134 = vector.load %arg2[%get3A_132, %get3A_133] : memref<96x2048xf32, #tpu.memory_space<vmem>>, vector<1x2048xf32>
    %add3A_135 = arith.addf %add3A_123, %get3A_134 : vector<1x2048xf32>
    %get3A_136 = arith.constant 19 : index
    %get3A_137 = arith.constant 0 : index
    %get3A_138 = vector.load %arg2[%get3A_136, %get3A_137] : memref<96x2048xf32, #tpu.memory_space<vmem>>, vector<1x2048xf32>
    %add3A_139 = arith.addf %add3A_127, %get3A_138 : vector<1x2048xf32>
    %get3A_140 = arith.constant 20 : index
    %get3A_141 = arith.constant 0 : index
    %get3A_142 = vector.load %arg2[%get3A_140, %get3A_141] : memref<96x2048xf32, #tpu.memory_space<vmem>>, vector<1x2048xf32>
    %add3A_143 = arith.addf %add3A_131, %get3A_142 : vector<1x2048xf32>
    %get3A_144 = arith.constant 21 : index
    %get3A_145 = arith.constant 0 : index
    %get3A_146 = vector.load %arg2[%get3A_144, %get3A_145] : memref<96x2048xf32, #tpu.memory_space<vmem>>, vector<1x2048xf32>
    %add3A_147 = arith.addf %add3A_135, %get3A_146 : vector<1x2048xf32>
    %get3A_148 = arith.constant 22 : index
    %get3A_149 = arith.constant 0 : index
    %get3A_150 = vector.load %arg2[%get3A_148, %get3A_149] : memref<96x2048xf32, #tpu.memory_space<vmem>>, vector<1x2048xf32>
    %add3A_151 = arith.addf %add3A_139, %get3A_150 : vector<1x2048xf32>
    %get3A_152 = arith.constant 23 : index
    %get3A_153 = arith.constant 0 : index
    %get3A_154 = vector.load %arg2[%get3A_152, %get3A_153] : memref<96x2048xf32, #tpu.memory_space<vmem>>, vector<1x2048xf32>
    %add3A_155 = arith.addf %add3A_143, %get3A_154 : vector<1x2048xf32>
    %div3A = arith.constant 1.000000e+00 : f32
    %div3A_156 = vector.broadcast %div3A : f32 to vector<1x2048xf32>
    %div3A_157 = arith.divf %div3A_156, %add3A_147 : vector<1x2048xf32>
    %mul3A_158 = arith.mulf %add3A_151, %div3A_157 : vector<1x2048xf32>
    %add3A_159 = arith.addf %add3A_34, %mul3A_158 : vector<1x2048xf32>
    %mul3A_160 = arith.mulf %add3A_155, %div3A_157 : vector<1x2048xf32>
    %add3A_161 = arith.addf %add3A_39, %mul3A_160 : vector<1x2048xf32>
    %get3A_162 = arith.constant 1 : index
    %get3A_163 = arith.constant 0 : index
    %get3A_164 = vector.load %arg1[%get3A_162, %get3A_163] : memref<32x2048xf32, #tpu.memory_space<vmem>>, vector<1x2048xf32>
    %get3A_165 = arith.constant 5 : index
    %get3A_166 = arith.constant 0 : index
    %get3A_167 = vector.load %arg1[%get3A_165, %get3A_166] : memref<32x2048xf32, #tpu.memory_space<vmem>>, vector<1x2048xf32>
    %add3A_168 = arith.addf %get3A_164, %get3A_167 : vector<1x2048xf32>
    %ge3A_169 = arith.constant 0.000000e+00 : f32
    %ge3A_170 = vector.broadcast %ge3A_169 : f32 to vector<1x2048xf32>
    %ge3A_171 = arith.cmpf oge, %add3A_168, %ge3A_170 : vector<1x2048xf32>
    %mul3A_172 = arith.constant 2.000000e-01 : f32
    %mul3A_173 = vector.broadcast %mul3A_172 : f32 to vector<1x2048xf32>
    %mul3A_174 = arith.mulf %mul3A_173, %add3A_168 : vector<1x2048xf32>
    %select_n3A_175 = arith.select %ge3A_171, %add3A_168, %mul3A_174 : vector<1x2048xi1>, vector<1x2048xf32>
    %exp3A_176 = math.exp %select_n3A_175 : vector<1x2048xf32>
    %get3A_177 = arith.constant 10 : index
    %get3A_178 = arith.constant 0 : index
    %get3A_179 = vector.load %arg1[%get3A_177, %get3A_178] : memref<32x2048xf32, #tpu.memory_space<vmem>>, vector<1x2048xf32>
    %get3A_180 = arith.constant 11 : index
    %get3A_181 = arith.constant 0 : index
    %get3A_182 = vector.load %arg1[%get3A_180, %get3A_181] : memref<32x2048xf32, #tpu.memory_space<vmem>>, vector<1x2048xf32>
    %mul3A_183 = arith.mulf %exp3A_176, %get3A_179 : vector<1x2048xf32>
    %mul3A_184 = arith.mulf %exp3A_176, %get3A_182 : vector<1x2048xf32>
    %get3A_185 = arith.constant 24 : index
    %get3A_186 = arith.constant 0 : index
    %get3A_187 = vector.load %arg2[%get3A_185, %get3A_186] : memref<96x2048xf32, #tpu.memory_space<vmem>>, vector<1x2048xf32>
    %add3A_188 = arith.addf %exp3A_176, %get3A_187 : vector<1x2048xf32>
    %get3A_189 = arith.constant 25 : index
    %get3A_190 = arith.constant 0 : index
    %get3A_191 = vector.load %arg2[%get3A_189, %get3A_190] : memref<96x2048xf32, #tpu.memory_space<vmem>>, vector<1x2048xf32>
    %add3A_192 = arith.addf %mul3A_183, %get3A_191 : vector<1x2048xf32>
    %get3A_193 = arith.constant 26 : index
    %get3A_194 = arith.constant 0 : index
    %get3A_195 = vector.load %arg2[%get3A_193, %get3A_194] : memref<96x2048xf32, #tpu.memory_space<vmem>>, vector<1x2048xf32>
    %add3A_196 = arith.addf %mul3A_184, %get3A_195 : vector<1x2048xf32>
    %get3A_197 = arith.constant 27 : index
    %get3A_198 = arith.constant 0 : index
    %get3A_199 = vector.load %arg2[%get3A_197, %get3A_198] : memref<96x2048xf32, #tpu.memory_space<vmem>>, vector<1x2048xf32>
    %add3A_200 = arith.addf %add3A_188, %get3A_199 : vector<1x2048xf32>
    %get3A_201 = arith.constant 28 : index
    %get3A_202 = arith.constant 0 : index
    %get3A_203 = vector.load %arg2[%get3A_201, %get3A_202] : memref<96x2048xf32, #tpu.memory_space<vmem>>, vector<1x2048xf32>
    %add3A_204 = arith.addf %add3A_192, %get3A_203 : vector<1x2048xf32>
    %get3A_205 = arith.constant 29 : index
    %get3A_206 = arith.constant 0 : index
    %get3A_207 = vector.load %arg2[%get3A_205, %get3A_206] : memref<96x2048xf32, #tpu.memory_space<vmem>>, vector<1x2048xf32>
    %add3A_208 = arith.addf %add3A_196, %get3A_207 : vector<1x2048xf32>
    %get3A_209 = arith.constant 30 : index
    %get3A_210 = arith.constant 0 : index
    %get3A_211 = vector.load %arg2[%get3A_209, %get3A_210] : memref<96x2048xf32, #tpu.memory_space<vmem>>, vector<1x2048xf32>
    %add3A_212 = arith.addf %add3A_200, %get3A_211 : vector<1x2048xf32>
    %get3A_213 = arith.constant 31 : index
    %get3A_214 = arith.constant 0 : index
    %get3A_215 = vector.load %arg2[%get3A_213, %get3A_214] : memref<96x2048xf32, #tpu.memory_space<vmem>>, vector<1x2048xf32>
    %add3A_216 = arith.addf %add3A_204, %get3A_215 : vector<1x2048xf32>
    %get3A_217 = arith.constant 32 : index
    %get3A_218 = arith.constant 0 : index
    %get3A_219 = vector.load %arg2[%get3A_217, %get3A_218] : memref<96x2048xf32, #tpu.memory_space<vmem>>, vector<1x2048xf32>
    %add3A_220 = arith.addf %add3A_208, %get3A_219 : vector<1x2048xf32>
    %get3A_221 = arith.constant 33 : index
    %get3A_222 = arith.constant 0 : index
    %get3A_223 = vector.load %arg2[%get3A_221, %get3A_222] : memref<96x2048xf32, #tpu.memory_space<vmem>>, vector<1x2048xf32>
    %add3A_224 = arith.addf %add3A_212, %get3A_223 : vector<1x2048xf32>
    %get3A_225 = arith.constant 34 : index
    %get3A_226 = arith.constant 0 : index
    %get3A_227 = vector.load %arg2[%get3A_225, %get3A_226] : memref<96x2048xf32, #tpu.memory_space<vmem>>, vector<1x2048xf32>
    %add3A_228 = arith.addf %add3A_216, %get3A_227 : vector<1x2048xf32>
    %get3A_229 = arith.constant 35 : index
    %get3A_230 = arith.constant 0 : index
    %get3A_231 = vector.load %arg2[%get3A_229, %get3A_230] : memref<96x2048xf32, #tpu.memory_space<vmem>>, vector<1x2048xf32>
    %add3A_232 = arith.addf %add3A_220, %get3A_231 : vector<1x2048xf32>
    %get3A_233 = arith.constant 36 : index
    %get3A_234 = arith.constant 0 : index
    %get3A_235 = vector.load %arg2[%get3A_233, %get3A_234] : memref<96x2048xf32, #tpu.memory_space<vmem>>, vector<1x2048xf32>
    %add3A_236 = arith.addf %add3A_224, %get3A_235 : vector<1x2048xf32>
    %get3A_237 = arith.constant 37 : index
    %get3A_238 = arith.constant 0 : index
    %get3A_239 = vector.load %arg2[%get3A_237, %get3A_238] : memref<96x2048xf32, #tpu.memory_space<vmem>>, vector<1x2048xf32>
    %add3A_240 = arith.addf %add3A_228, %get3A_239 : vector<1x2048xf32>
    %get3A_241 = arith.constant 38 : index
    %get3A_242 = arith.constant 0 : index
    %get3A_243 = vector.load %arg2[%get3A_241, %get3A_242] : memref<96x2048xf32, #tpu.memory_space<vmem>>, vector<1x2048xf32>
    %add3A_244 = arith.addf %add3A_232, %get3A_243 : vector<1x2048xf32>
    %get3A_245 = arith.constant 39 : index
    %get3A_246 = arith.constant 0 : index
    %get3A_247 = vector.load %arg2[%get3A_245, %get3A_246] : memref<96x2048xf32, #tpu.memory_space<vmem>>, vector<1x2048xf32>
    %add3A_248 = arith.addf %add3A_236, %get3A_247 : vector<1x2048xf32>
    %get3A_249 = arith.constant 40 : index
    %get3A_250 = arith.constant 0 : index
    %get3A_251 = vector.load %arg2[%get3A_249, %get3A_250] : memref<96x2048xf32, #tpu.memory_space<vmem>>, vector<1x2048xf32>
    %add3A_252 = arith.addf %add3A_240, %get3A_251 : vector<1x2048xf32>
    %get3A_253 = arith.constant 41 : index
    %get3A_254 = arith.constant 0 : index
    %get3A_255 = vector.load %arg2[%get3A_253, %get3A_254] : memref<96x2048xf32, #tpu.memory_space<vmem>>, vector<1x2048xf32>
    %add3A_256 = arith.addf %add3A_244, %get3A_255 : vector<1x2048xf32>
    %get3A_257 = arith.constant 42 : index
    %get3A_258 = arith.constant 0 : index
    %get3A_259 = vector.load %arg2[%get3A_257, %get3A_258] : memref<96x2048xf32, #tpu.memory_space<vmem>>, vector<1x2048xf32>
    %add3A_260 = arith.addf %add3A_248, %get3A_259 : vector<1x2048xf32>
    %get3A_261 = arith.constant 43 : index
    %get3A_262 = arith.constant 0 : index
    %get3A_263 = vector.load %arg2[%get3A_261, %get3A_262] : memref<96x2048xf32, #tpu.memory_space<vmem>>, vector<1x2048xf32>
    %add3A_264 = arith.addf %add3A_252, %get3A_263 : vector<1x2048xf32>
    %get3A_265 = arith.constant 44 : index
    %get3A_266 = arith.constant 0 : index
    %get3A_267 = vector.load %arg2[%get3A_265, %get3A_266] : memref<96x2048xf32, #tpu.memory_space<vmem>>, vector<1x2048xf32>
    %add3A_268 = arith.addf %add3A_256, %get3A_267 : vector<1x2048xf32>
    %get3A_269 = arith.constant 45 : index
    %get3A_270 = arith.constant 0 : index
    %get3A_271 = vector.load %arg2[%get3A_269, %get3A_270] : memref<96x2048xf32, #tpu.memory_space<vmem>>, vector<1x2048xf32>
    %add3A_272 = arith.addf %add3A_260, %get3A_271 : vector<1x2048xf32>
    %get3A_273 = arith.constant 46 : index
    %get3A_274 = arith.constant 0 : index
    %get3A_275 = vector.load %arg2[%get3A_273, %get3A_274] : memref<96x2048xf32, #tpu.memory_space<vmem>>, vector<1x2048xf32>
    %add3A_276 = arith.addf %add3A_264, %get3A_275 : vector<1x2048xf32>
    %get3A_277 = arith.constant 47 : index
    %get3A_278 = arith.constant 0 : index
    %get3A_279 = vector.load %arg2[%get3A_277, %get3A_278] : memref<96x2048xf32, #tpu.memory_space<vmem>>, vector<1x2048xf32>
    %add3A_280 = arith.addf %add3A_268, %get3A_279 : vector<1x2048xf32>
    %div3A_281 = arith.constant 1.000000e+00 : f32
    %div3A_282 = vector.broadcast %div3A_281 : f32 to vector<1x2048xf32>
    %div3A_283 = arith.divf %div3A_282, %add3A_272 : vector<1x2048xf32>
    %mul3A_284 = arith.mulf %add3A_276, %div3A_283 : vector<1x2048xf32>
    %add3A_285 = arith.addf %add3A_159, %mul3A_284 : vector<1x2048xf32>
    %mul3A_286 = arith.mulf %add3A_280, %div3A_283 : vector<1x2048xf32>
    %add3A_287 = arith.addf %add3A_161, %mul3A_286 : vector<1x2048xf32>
    %get3A_288 = arith.constant 2 : index
    %get3A_289 = arith.constant 0 : index
    %get3A_290 = vector.load %arg1[%get3A_288, %get3A_289] : memref<32x2048xf32, #tpu.memory_space<vmem>>, vector<1x2048xf32>
    %get3A_291 = arith.constant 6 : index
    %get3A_292 = arith.constant 0 : index
    %get3A_293 = vector.load %arg1[%get3A_291, %get3A_292] : memref<32x2048xf32, #tpu.memory_space<vmem>>, vector<1x2048xf32>
    %add3A_294 = arith.addf %get3A_290, %get3A_293 : vector<1x2048xf32>
    %ge3A_295 = arith.constant 0.000000e+00 : f32
    %ge3A_296 = vector.broadcast %ge3A_295 : f32 to vector<1x2048xf32>
    %ge3A_297 = arith.cmpf oge, %add3A_294, %ge3A_296 : vector<1x2048xf32>
    %mul3A_298 = arith.constant 2.000000e-01 : f32
    %mul3A_299 = vector.broadcast %mul3A_298 : f32 to vector<1x2048xf32>
    %mul3A_300 = arith.mulf %mul3A_299, %add3A_294 : vector<1x2048xf32>
    %select_n3A_301 = arith.select %ge3A_297, %add3A_294, %mul3A_300 : vector<1x2048xi1>, vector<1x2048xf32>
    %exp3A_302 = math.exp %select_n3A_301 : vector<1x2048xf32>
    %get3A_303 = arith.constant 12 : index
    %get3A_304 = arith.constant 0 : index
    %get3A_305 = vector.load %arg1[%get3A_303, %get3A_304] : memref<32x2048xf32, #tpu.memory_space<vmem>>, vector<1x2048xf32>
    %get3A_306 = arith.constant 13 : index
    %get3A_307 = arith.constant 0 : index
    %get3A_308 = vector.load %arg1[%get3A_306, %get3A_307] : memref<32x2048xf32, #tpu.memory_space<vmem>>, vector<1x2048xf32>
    %mul3A_309 = arith.mulf %exp3A_302, %get3A_305 : vector<1x2048xf32>
    %mul3A_310 = arith.mulf %exp3A_302, %get3A_308 : vector<1x2048xf32>
    %get3A_311 = arith.constant 48 : index
    %get3A_312 = arith.constant 0 : index
    %get3A_313 = vector.load %arg2[%get3A_311, %get3A_312] : memref<96x2048xf32, #tpu.memory_space<vmem>>, vector<1x2048xf32>
    %add3A_314 = arith.addf %exp3A_302, %get3A_313 : vector<1x2048xf32>
    %get3A_315 = arith.constant 49 : index
    %get3A_316 = arith.constant 0 : index
    %get3A_317 = vector.load %arg2[%get3A_315, %get3A_316] : memref<96x2048xf32, #tpu.memory_space<vmem>>, vector<1x2048xf32>
    %add3A_318 = arith.addf %mul3A_309, %get3A_317 : vector<1x2048xf32>
    %get3A_319 = arith.constant 50 : index
    %get3A_320 = arith.constant 0 : index
    %get3A_321 = vector.load %arg2[%get3A_319, %get3A_320] : memref<96x2048xf32, #tpu.memory_space<vmem>>, vector<1x2048xf32>
    %add3A_322 = arith.addf %mul3A_310, %get3A_321 : vector<1x2048xf32>
    %get3A_323 = arith.constant 51 : index
    %get3A_324 = arith.constant 0 : index
    %get3A_325 = vector.load %arg2[%get3A_323, %get3A_324] : memref<96x2048xf32, #tpu.memory_space<vmem>>, vector<1x2048xf32>
    %add3A_326 = arith.addf %add3A_314, %get3A_325 : vector<1x2048xf32>
    %get3A_327 = arith.constant 52 : index
    %get3A_328 = arith.constant 0 : index
    %get3A_329 = vector.load %arg2[%get3A_327, %get3A_328] : memref<96x2048xf32, #tpu.memory_space<vmem>>, vector<1x2048xf32>
    %add3A_330 = arith.addf %add3A_318, %get3A_329 : vector<1x2048xf32>
    %get3A_331 = arith.constant 53 : index
    %get3A_332 = arith.constant 0 : index
    %get3A_333 = vector.load %arg2[%get3A_331, %get3A_332] : memref<96x2048xf32, #tpu.memory_space<vmem>>, vector<1x2048xf32>
    %add3A_334 = arith.addf %add3A_322, %get3A_333 : vector<1x2048xf32>
    %get3A_335 = arith.constant 54 : index
    %get3A_336 = arith.constant 0 : index
    %get3A_337 = vector.load %arg2[%get3A_335, %get3A_336] : memref<96x2048xf32, #tpu.memory_space<vmem>>, vector<1x2048xf32>
    %add3A_338 = arith.addf %add3A_326, %get3A_337 : vector<1x2048xf32>
    %get3A_339 = arith.constant 55 : index
    %get3A_340 = arith.constant 0 : index
    %get3A_341 = vector.load %arg2[%get3A_339, %get3A_340] : memref<96x2048xf32, #tpu.memory_space<vmem>>, vector<1x2048xf32>
    %add3A_342 = arith.addf %add3A_330, %get3A_341 : vector<1x2048xf32>
    %get3A_343 = arith.constant 56 : index
    %get3A_344 = arith.constant 0 : index
    %get3A_345 = vector.load %arg2[%get3A_343, %get3A_344] : memref<96x2048xf32, #tpu.memory_space<vmem>>, vector<1x2048xf32>
    %add3A_346 = arith.addf %add3A_334, %get3A_345 : vector<1x2048xf32>
    %get3A_347 = arith.constant 57 : index
    %get3A_348 = arith.constant 0 : index
    %get3A_349 = vector.load %arg2[%get3A_347, %get3A_348] : memref<96x2048xf32, #tpu.memory_space<vmem>>, vector<1x2048xf32>
    %add3A_350 = arith.addf %add3A_338, %get3A_349 : vector<1x2048xf32>
    %get3A_351 = arith.constant 58 : index
    %get3A_352 = arith.constant 0 : index
    %get3A_353 = vector.load %arg2[%get3A_351, %get3A_352] : memref<96x2048xf32, #tpu.memory_space<vmem>>, vector<1x2048xf32>
    %add3A_354 = arith.addf %add3A_342, %get3A_353 : vector<1x2048xf32>
    %get3A_355 = arith.constant 59 : index
    %get3A_356 = arith.constant 0 : index
    %get3A_357 = vector.load %arg2[%get3A_355, %get3A_356] : memref<96x2048xf32, #tpu.memory_space<vmem>>, vector<1x2048xf32>
    %add3A_358 = arith.addf %add3A_346, %get3A_357 : vector<1x2048xf32>
    %get3A_359 = arith.constant 60 : index
    %get3A_360 = arith.constant 0 : index
    %get3A_361 = vector.load %arg2[%get3A_359, %get3A_360] : memref<96x2048xf32, #tpu.memory_space<vmem>>, vector<1x2048xf32>
    %add3A_362 = arith.addf %add3A_350, %get3A_361 : vector<1x2048xf32>
    %get3A_363 = arith.constant 61 : index
    %get3A_364 = arith.constant 0 : index
    %get3A_365 = vector.load %arg2[%get3A_363, %get3A_364] : memref<96x2048xf32, #tpu.memory_space<vmem>>, vector<1x2048xf32>
    %add3A_366 = arith.addf %add3A_354, %get3A_365 : vector<1x2048xf32>
    %get3A_367 = arith.constant 62 : index
    %get3A_368 = arith.constant 0 : index
    %get3A_369 = vector.load %arg2[%get3A_367, %get3A_368] : memref<96x2048xf32, #tpu.memory_space<vmem>>, vector<1x2048xf32>
    %add3A_370 = arith.addf %add3A_358, %get3A_369 : vector<1x2048xf32>
    %get3A_371 = arith.constant 63 : index
    %get3A_372 = arith.constant 0 : index
    %get3A_373 = vector.load %arg2[%get3A_371, %get3A_372] : memref<96x2048xf32, #tpu.memory_space<vmem>>, vector<1x2048xf32>
    %add3A_374 = arith.addf %add3A_362, %get3A_373 : vector<1x2048xf32>
    %get3A_375 = arith.constant 64 : index
    %get3A_376 = arith.constant 0 : index
    %get3A_377 = vector.load %arg2[%get3A_375, %get3A_376] : memref<96x2048xf32, #tpu.memory_space<vmem>>, vector<1x2048xf32>
    %add3A_378 = arith.addf %add3A_366, %get3A_377 : vector<1x2048xf32>
    %get3A_379 = arith.constant 65 : index
    %get3A_380 = arith.constant 0 : index
    %get3A_381 = vector.load %arg2[%get3A_379, %get3A_380] : memref<96x2048xf32, #tpu.memory_space<vmem>>, vector<1x2048xf32>
    %add3A_382 = arith.addf %add3A_370, %get3A_381 : vector<1x2048xf32>
    %get3A_383 = arith.constant 66 : index
    %get3A_384 = arith.constant 0 : index
    %get3A_385 = vector.load %arg2[%get3A_383, %get3A_384] : memref<96x2048xf32, #tpu.memory_space<vmem>>, vector<1x2048xf32>
    %add3A_386 = arith.addf %add3A_374, %get3A_385 : vector<1x2048xf32>
    %get3A_387 = arith.constant 67 : index
    %get3A_388 = arith.constant 0 : index
    %get3A_389 = vector.load %arg2[%get3A_387, %get3A_388] : memref<96x2048xf32, #tpu.memory_space<vmem>>, vector<1x2048xf32>
    %add3A_390 = arith.addf %add3A_378, %get3A_389 : vector<1x2048xf32>
    %get3A_391 = arith.constant 68 : index
    %get3A_392 = arith.constant 0 : index
    %get3A_393 = vector.load %arg2[%get3A_391, %get3A_392] : memref<96x2048xf32, #tpu.memory_space<vmem>>, vector<1x2048xf32>
    %add3A_394 = arith.addf %add3A_382, %get3A_393 : vector<1x2048xf32>
    %get3A_395 = arith.constant 69 : index
    %get3A_396 = arith.constant 0 : index
    %get3A_397 = vector.load %arg2[%get3A_395, %get3A_396] : memref<96x2048xf32, #tpu.memory_space<vmem>>, vector<1x2048xf32>
    %add3A_398 = arith.addf %add3A_386, %get3A_397 : vector<1x2048xf32>
    %get3A_399 = arith.constant 70 : index
    %get3A_400 = arith.constant 0 : index
    %get3A_401 = vector.load %arg2[%get3A_399, %get3A_400] : memref<96x2048xf32, #tpu.memory_space<vmem>>, vector<1x2048xf32>
    %add3A_402 = arith.addf %add3A_390, %get3A_401 : vector<1x2048xf32>
    %get3A_403 = arith.constant 71 : index
    %get3A_404 = arith.constant 0 : index
    %get3A_405 = vector.load %arg2[%get3A_403, %get3A_404] : memref<96x2048xf32, #tpu.memory_space<vmem>>, vector<1x2048xf32>
    %add3A_406 = arith.addf %add3A_394, %get3A_405 : vector<1x2048xf32>
    %div3A_407 = arith.constant 1.000000e+00 : f32
    %div3A_408 = vector.broadcast %div3A_407 : f32 to vector<1x2048xf32>
    %div3A_409 = arith.divf %div3A_408, %add3A_398 : vector<1x2048xf32>
    %mul3A_410 = arith.mulf %add3A_402, %div3A_409 : vector<1x2048xf32>
    %add3A_411 = arith.addf %add3A_285, %mul3A_410 : vector<1x2048xf32>
    %mul3A_412 = arith.mulf %add3A_406, %div3A_409 : vector<1x2048xf32>
    %add3A_413 = arith.addf %add3A_287, %mul3A_412 : vector<1x2048xf32>
    %get3A_414 = arith.constant 3 : index
    %get3A_415 = arith.constant 0 : index
    %get3A_416 = vector.load %arg1[%get3A_414, %get3A_415] : memref<32x2048xf32, #tpu.memory_space<vmem>>, vector<1x2048xf32>
    %get3A_417 = arith.constant 7 : index
    %get3A_418 = arith.constant 0 : index
    %get3A_419 = vector.load %arg1[%get3A_417, %get3A_418] : memref<32x2048xf32, #tpu.memory_space<vmem>>, vector<1x2048xf32>
    %add3A_420 = arith.addf %get3A_416, %get3A_419 : vector<1x2048xf32>
    %ge3A_421 = arith.constant 0.000000e+00 : f32
    %ge3A_422 = vector.broadcast %ge3A_421 : f32 to vector<1x2048xf32>
    %ge3A_423 = arith.cmpf oge, %add3A_420, %ge3A_422 : vector<1x2048xf32>
    %mul3A_424 = arith.constant 2.000000e-01 : f32
    %mul3A_425 = vector.broadcast %mul3A_424 : f32 to vector<1x2048xf32>
    %mul3A_426 = arith.mulf %mul3A_425, %add3A_420 : vector<1x2048xf32>
    %select_n3A_427 = arith.select %ge3A_423, %add3A_420, %mul3A_426 : vector<1x2048xi1>, vector<1x2048xf32>
    %exp3A_428 = math.exp %select_n3A_427 : vector<1x2048xf32>
    %get3A_429 = arith.constant 14 : index
    %get3A_430 = arith.constant 0 : index
    %get3A_431 = vector.load %arg1[%get3A_429, %get3A_430] : memref<32x2048xf32, #tpu.memory_space<vmem>>, vector<1x2048xf32>
    %get3A_432 = arith.constant 15 : index
    %get3A_433 = arith.constant 0 : index
    %get3A_434 = vector.load %arg1[%get3A_432, %get3A_433] : memref<32x2048xf32, #tpu.memory_space<vmem>>, vector<1x2048xf32>
    %mul3A_435 = arith.mulf %exp3A_428, %get3A_431 : vector<1x2048xf32>
    %mul3A_436 = arith.mulf %exp3A_428, %get3A_434 : vector<1x2048xf32>
    %get3A_437 = arith.constant 72 : index
    %get3A_438 = arith.constant 0 : index
    %get3A_439 = vector.load %arg2[%get3A_437, %get3A_438] : memref<96x2048xf32, #tpu.memory_space<vmem>>, vector<1x2048xf32>
    %add3A_440 = arith.addf %exp3A_428, %get3A_439 : vector<1x2048xf32>
    %get3A_441 = arith.constant 73 : index
    %get3A_442 = arith.constant 0 : index
    %get3A_443 = vector.load %arg2[%get3A_441, %get3A_442] : memref<96x2048xf32, #tpu.memory_space<vmem>>, vector<1x2048xf32>
    %add3A_444 = arith.addf %mul3A_435, %get3A_443 : vector<1x2048xf32>
    %get3A_445 = arith.constant 74 : index
    %get3A_446 = arith.constant 0 : index
    %get3A_447 = vector.load %arg2[%get3A_445, %get3A_446] : memref<96x2048xf32, #tpu.memory_space<vmem>>, vector<1x2048xf32>
    %add3A_448 = arith.addf %mul3A_436, %get3A_447 : vector<1x2048xf32>
    %get3A_449 = arith.constant 75 : index
    %get3A_450 = arith.constant 0 : index
    %get3A_451 = vector.load %arg2[%get3A_449, %get3A_450] : memref<96x2048xf32, #tpu.memory_space<vmem>>, vector<1x2048xf32>
    %add3A_452 = arith.addf %add3A_440, %get3A_451 : vector<1x2048xf32>
    %get3A_453 = arith.constant 76 : index
    %get3A_454 = arith.constant 0 : index
    %get3A_455 = vector.load %arg2[%get3A_453, %get3A_454] : memref<96x2048xf32, #tpu.memory_space<vmem>>, vector<1x2048xf32>
    %add3A_456 = arith.addf %add3A_444, %get3A_455 : vector<1x2048xf32>
    %get3A_457 = arith.constant 77 : index
    %get3A_458 = arith.constant 0 : index
    %get3A_459 = vector.load %arg2[%get3A_457, %get3A_458] : memref<96x2048xf32, #tpu.memory_space<vmem>>, vector<1x2048xf32>
    %add3A_460 = arith.addf %add3A_448, %get3A_459 : vector<1x2048xf32>
    %get3A_461 = arith.constant 78 : index
    %get3A_462 = arith.constant 0 : index
    %get3A_463 = vector.load %arg2[%get3A_461, %get3A_462] : memref<96x2048xf32, #tpu.memory_space<vmem>>, vector<1x2048xf32>
    %add3A_464 = arith.addf %add3A_452, %get3A_463 : vector<1x2048xf32>
    %get3A_465 = arith.constant 79 : index
    %get3A_466 = arith.constant 0 : index
    %get3A_467 = vector.load %arg2[%get3A_465, %get3A_466] : memref<96x2048xf32, #tpu.memory_space<vmem>>, vector<1x2048xf32>
    %add3A_468 = arith.addf %add3A_456, %get3A_467 : vector<1x2048xf32>
    %get3A_469 = arith.constant 80 : index
    %get3A_470 = arith.constant 0 : index
    %get3A_471 = vector.load %arg2[%get3A_469, %get3A_470] : memref<96x2048xf32, #tpu.memory_space<vmem>>, vector<1x2048xf32>
    %add3A_472 = arith.addf %add3A_460, %get3A_471 : vector<1x2048xf32>
    %get3A_473 = arith.constant 81 : index
    %get3A_474 = arith.constant 0 : index
    %get3A_475 = vector.load %arg2[%get3A_473, %get3A_474] : memref<96x2048xf32, #tpu.memory_space<vmem>>, vector<1x2048xf32>
    %add3A_476 = arith.addf %add3A_464, %get3A_475 : vector<1x2048xf32>
    %get3A_477 = arith.constant 82 : index
    %get3A_478 = arith.constant 0 : index
    %get3A_479 = vector.load %arg2[%get3A_477, %get3A_478] : memref<96x2048xf32, #tpu.memory_space<vmem>>, vector<1x2048xf32>
    %add3A_480 = arith.addf %add3A_468, %get3A_479 : vector<1x2048xf32>
    %get3A_481 = arith.constant 83 : index
    %get3A_482 = arith.constant 0 : index
    %get3A_483 = vector.load %arg2[%get3A_481, %get3A_482] : memref<96x2048xf32, #tpu.memory_space<vmem>>, vector<1x2048xf32>
    %add3A_484 = arith.addf %add3A_472, %get3A_483 : vector<1x2048xf32>
    %get3A_485 = arith.constant 84 : index
    %get3A_486 = arith.constant 0 : index
    %get3A_487 = vector.load %arg2[%get3A_485, %get3A_486] : memref<96x2048xf32, #tpu.memory_space<vmem>>, vector<1x2048xf32>
    %add3A_488 = arith.addf %add3A_476, %get3A_487 : vector<1x2048xf32>
    %get3A_489 = arith.constant 85 : index
    %get3A_490 = arith.constant 0 : index
    %get3A_491 = vector.load %arg2[%get3A_489, %get3A_490] : memref<96x2048xf32, #tpu.memory_space<vmem>>, vector<1x2048xf32>
    %add3A_492 = arith.addf %add3A_480, %get3A_491 : vector<1x2048xf32>
    %get3A_493 = arith.constant 86 : index
    %get3A_494 = arith.constant 0 : index
    %get3A_495 = vector.load %arg2[%get3A_493, %get3A_494] : memref<96x2048xf32, #tpu.memory_space<vmem>>, vector<1x2048xf32>
    %add3A_496 = arith.addf %add3A_484, %get3A_495 : vector<1x2048xf32>
    %get3A_497 = arith.constant 87 : index
    %get3A_498 = arith.constant 0 : index
    %get3A_499 = vector.load %arg2[%get3A_497, %get3A_498] : memref<96x2048xf32, #tpu.memory_space<vmem>>, vector<1x2048xf32>
    %add3A_500 = arith.addf %add3A_488, %get3A_499 : vector<1x2048xf32>
    %get3A_501 = arith.constant 88 : index
    %get3A_502 = arith.constant 0 : index
    %get3A_503 = vector.load %arg2[%get3A_501, %get3A_502] : memref<96x2048xf32, #tpu.memory_space<vmem>>, vector<1x2048xf32>
    %add3A_504 = arith.addf %add3A_492, %get3A_503 : vector<1x2048xf32>
    %get3A_505 = arith.constant 89 : index
    %get3A_506 = arith.constant 0 : index
    %get3A_507 = vector.load %arg2[%get3A_505, %get3A_506] : memref<96x2048xf32, #tpu.memory_space<vmem>>, vector<1x2048xf32>
    %add3A_508 = arith.addf %add3A_496, %get3A_507 : vector<1x2048xf32>
    %get3A_509 = arith.constant 90 : index
    %get3A_510 = arith.constant 0 : index
    %get3A_511 = vector.load %arg2[%get3A_509, %get3A_510] : memref<96x2048xf32, #tpu.memory_space<vmem>>, vector<1x2048xf32>
    %add3A_512 = arith.addf %add3A_500, %get3A_511 : vector<1x2048xf32>
    %get3A_513 = arith.constant 91 : index
    %get3A_514 = arith.constant 0 : index
    %get3A_515 = vector.load %arg2[%get3A_513, %get3A_514] : memref<96x2048xf32, #tpu.memory_space<vmem>>, vector<1x2048xf32>
    %add3A_516 = arith.addf %add3A_504, %get3A_515 : vector<1x2048xf32>
    %get3A_517 = arith.constant 92 : index
    %get3A_518 = arith.constant 0 : index
    %get3A_519 = vector.load %arg2[%get3A_517, %get3A_518] : memref<96x2048xf32, #tpu.memory_space<vmem>>, vector<1x2048xf32>
    %add3A_520 = arith.addf %add3A_508, %get3A_519 : vector<1x2048xf32>
    %get3A_521 = arith.constant 93 : index
    %get3A_522 = arith.constant 0 : index
    %get3A_523 = vector.load %arg2[%get3A_521, %get3A_522] : memref<96x2048xf32, #tpu.memory_space<vmem>>, vector<1x2048xf32>
    %add3A_524 = arith.addf %add3A_512, %get3A_523 : vector<1x2048xf32>
    %get3A_525 = arith.constant 94 : index
    %get3A_526 = arith.constant 0 : index
    %get3A_527 = vector.load %arg2[%get3A_525, %get3A_526] : memref<96x2048xf32, #tpu.memory_space<vmem>>, vector<1x2048xf32>
    %add3A_528 = arith.addf %add3A_516, %get3A_527 : vector<1x2048xf32>
    %get3A_529 = arith.constant 95 : index
    %get3A_530 = arith.constant 0 : index
    %get3A_531 = vector.load %arg2[%get3A_529, %get3A_530] : memref<96x2048xf32, #tpu.memory_space<vmem>>, vector<1x2048xf32>
    %add3A_532 = arith.addf %add3A_520, %get3A_531 : vector<1x2048xf32>
    %div3A_533 = arith.constant 1.000000e+00 : f32
    %div3A_534 = vector.broadcast %div3A_533 : f32 to vector<1x2048xf32>
    %div3A_535 = arith.divf %div3A_534, %add3A_524 : vector<1x2048xf32>
    %mul3A_536 = arith.mulf %add3A_528, %div3A_535 : vector<1x2048xf32>
    %add3A_537 = arith.addf %add3A_411, %mul3A_536 : vector<1x2048xf32>
    %mul3A_538 = arith.mulf %add3A_532, %div3A_535 : vector<1x2048xf32>
    %add3A_539 = arith.addf %add3A_413, %mul3A_538 : vector<1x2048xf32>
    %concatenate3A = tpu.concatenate %add3A_537, %add3A_539 in 0 : vector<1x2048xf32>, vector<1x2048xf32> -> vector<2x2048xf32>
    %swap3A = arith.constant 0 : index
    %swap3A_540 = arith.constant 0 : index
    %swap3A_541 = vector.load %arg6[%swap3A, %swap3A_540] : memref<2x2048xf32, #tpu.memory_space<vmem>>, vector<2x2048xf32>
    tpu.vector_store %arg6[%swap3A, %swap3A_540], %concatenate3A {strides = array<i32>} : memref<2x2048xf32, #tpu.memory_space<vmem>>, vector<2x2048xf32>,
    return
  }
  func.func @transform_0(%arg0: i32) -> (i32, i32) {
    %c0_i32 = arith.constant 0 : i32
    %c0_i32_0 = arith.constant 0 : i32
    return %c0_i32, %arg0 : i32, i32
  }
  func.func @transform_1(%arg0: i32) -> (i32, i32) {
    %c0_i32 = arith.constant 0 : i32
    %c0_i32_0 = arith.constant 0 : i32
    return %c0_i32, %arg0 : i32, i32
  }
  func.func @transform_2(%arg0: i32) -> (i32, i32) {
    %c0_i32 = arith.constant 0 : i32
    %c0_i32_0 = arith.constant 0 : i32
    %c0_i32_1 = arith.constant 0 : i32
    return %c0_i32, %c0_i32_0 : i32, i32
  }
  func.func @transform_3(%arg0: i32) -> (i32, i32) {
    %c0_i32 = arith.constant 0 : i32
    %c0_i32_0 = arith.constant 0 : i32
    %c0_i32_1 = arith.constant 0 : i32
    return %c0_i32, %c0_i32_0 : i32, i32
  }
  func.func @transform_4(%arg0: i32) -> (i32, i32) {
    %c0_i32 = arith.constant 0 : i32
    %c0_i32_0 = arith.constant 0 : i32
    %c0_i32_1 = arith.constant 0 : i32
    return %c0_i32, %c0_i32_0 : i32, i32
  }
  func.func @transform_5(%arg0: i32) -> (i32, i32) {
    %c0_i32 = arith.constant 0 : i32
    %c0_i32_0 = arith.constant 0 : i32
    return %c0_i32, %arg0 : i32, i32
  }
}

</mosaic_0001>

<sc_bundles>
// kernel: kernel.7.cloned.1.call-start
scs
__scs_entry_jumppad:
0x0: {  	(pc) =	sbr.rel $0x88, $3  }
0x1: {  	(tag) =	ssettag $0x0;
	lr =	simm.s32 $0x1  }
0x2: {  	[smem:$0x3F95] =	sst lr;
	_ =	strace $0xD0000000  }
0x3: {  	_ = 	snop  }
0x4: {  	_ = 	snop  }
0x5: {  	_ = 	snop  }
0x6: {  	_ = 	snop  }
0x7: {  	_ = 	snop  }
__scs_overlays_trampoline_lowered:
0x8: {  	[smem:$0x3FA4] =	sst s0  }
0x9: {  	[smem:$0x3FA5] =	sst s1  }
0xa: {  	[smem:$0x3FA6] =	sst s2  }
0xb: {  	[smem:$0x3FA7] =	sst s3  }
0xc: {  	[smem:$0x3FA8] =	sst s4  }
0xd: {  	[smem:$0x3FA9] =	sst s5  }
0xe: {  	[smem:$0x3FAA] =	sst s6  }
0xf: {  	[smem:$0x3FAB] =	sst s7  }
0x10: {  	[smem:$0x3FAC] =	sst s8  }
0x11: {  	[smem:$0x3FAD] =	sst s9;
	s0 =	simm.s32 @!p0 $0x0  }
0x12: {  	s1 =	sld [smem:$0x3F93];
	s0 =	simm.s32 @p0 $0x1  }
0x13: {  	[smem:$0x3FAE] =	sst s0;
	s0 =	simm.s32 @!p1 $0x0  }
0x14: {  	s2 =	sld [smem:$0x3F92];
	s0 =	simm.s32 @p1 $0x1  }
0x15: {  	[smem:$0x3FAF] =	sst s0;
	s0 =	simm.s32 @!p2 $0x0  }
0x16: {  	s3 =	sld [smem:$0x3FDB];
	s0 =	simm.s32 @p2 $0x1  }
0x17: {  	s4 =	simm.s32 $0x1BF5;
	[smem:$0x3FB1] =	sst s0  }
0x18: {  	s0 =	sld [smem:$0x3F94];
	_ =	swait.ge [sflag:s4], $0x0  }
0x19: {  	s7 =	sld [smem:$0x3F95]  }
0x1a: {  	s8 =	sadd.s32 $0xFFFFE003, lr  }
0x1b: {  	s9 =	sadd.s32 $0xFFFFFEF7, lr;
	s5 =	simm.s32 $0xFFFFFFFF;
	p2 =	slt.u32 s8, $0xFFFFF086  }
0x1c: {  	p1 =	slt.u32 s9, $0xF7A;
	s5 =	simm.s32 @!p2 $0x0  }
0x1d: {  	s5 =	simm.s32 @p1 $0x1;
	p0 =	seq.s32 s7, s2  }
0x1e: {  	s7 =	smul.u32 @!p0 $0xF7A, s2;
	p2 =	seq.s32 @!p0 s5, $0x0  }
0x1f: {  	s9 =	smul.u32 $0xF7A, s1;
	s8 =	simm.s32 @!p0 $0x1BF5;
	p2 =	por !p2, p0  }
0x20: {  	[sflag:s8] =	ssyncset.s32 @!p0 $0xFFFFF086;
	s6 =	sadd.s32 @!p0 s3, s7;
	s7 =	simm.s32 @!p0 $0x108  }
0x21: {  	s3 =	sadd.s32 s3, s9;
	s6 =	sadd.s32 @!p0 $0x88, s6;
	s7 =	simm.s32 @p2 $0x1082  }
0x22: {  	[simem:s7], [sflag:s8] =	dma.local @!p0 [hbm:s6], $0xF7A  }
0x23: {  	s9 =	sor.u32 $0xD0000000, s2;
	s6 =	simm.s32 $0x108;
	_ =	swait.ge @!p0 [sflag:s8], $0x0  }
0x24: {  	s3 =	sadd.s32 $0x88, s3;
	s6 =	simm.s32 @!p1 $0x1082;
	[sflag:s4] =	ssyncset.s32 $0xFFFFF086  }
0x25: {  	[simem:s6], [sflag:s4] =	dma.local [hbm:s3], $0xF7A  }
0x26: {  	[smem:$0x3F95] =	sst s1;
	(tag) =	ssettag s2;
	_ =	strace s9  }
0x27: {  	s1 =	sld [smem:$0x3FA5]  }
0x28: {  	s2 =	sld [smem:$0x3FA6]  }
0x29: {  	s4 =	sld [smem:$0x3FA8]  }
0x2a: {  	p0 =	seq.s32 s5, $0x0;
	s5 =	sld [smem:$0x3FA9]  }
0x2b: {  	s6 =	sld [smem:$0x3FAA]  }
0x2c: {  	s7 =	sld [smem:$0x3FAB]  }
0x2d: {  	s3 =	simm.s32 $0x108;
	s8 =	sld [smem:$0x3FAC]  }
0x2e: {  	s3 =	simm.s32 @!p0 $0x1082;
	s9 =	sld [smem:$0x3FAD]  }
0x2f: {  	lr =	sadd.s32 s0, s3;
	s0 =	sld [smem:$0x3FA4]  }
0x30: {  	s3 =	sld [smem:$0x3FA7]  }
0x31: {  	[smem:$0x3FB0] =	sst s10  }
0x32: {  	s10 =	sld [smem:$0x3FAE];
	_ =	sdelay $0x3  }
0x33: {  	p0 =	seq.s32 s10, $0x1;
	s10 =	sld [smem:$0x3FB0];
	_ =	sdelay $0x3  }
0x34: {  	[smem:$0x3FB0] =	sst s10  }
0x35: {  	s10 =	sld [smem:$0x3FAF];
	_ =	sdelay $0x3  }
0x36: {  	p1 =	seq.s32 s10, $0x1;
	s10 =	sld [smem:$0x3FB0];
	_ =	sdelay $0x3  }
0x37: {  	[smem:$0x3FB0] =	sst s10  }
0x38: {  	s10 =	sld [smem:$0x3FB1]  }
0x39: {  	_ = 	snop;
	(pc) =	sbr.ind lr, $3  }
0x3a: {  	_ = 	snop  }
0x3b: {  	_ = 	snop  }
0x3c: {  	p2 =	seq.s32 s10, $0x1;
	s10 =	sld [smem:$0x3FB0]  }
0x3d: {  	_ =	shalt  }
0x3e: {  	_ =	shalt  }
0x3f: {  	_ =	shalt  }
0x40: {  	_ =	shalt  }
0x41: {  	_ =	shalt  }
0x42: {  	_ =	shalt  }
0x43: {  	_ =	shalt  }
0x44: {  	_ =	shalt  }
0x45: {  	_ =	shalt  }
0x46: {  	_ =	shalt  }
0x47: {  	_ =	shalt  }
0x48: {  	_ =	shalt  }
0x49: {  	_ =	shalt  }
0x4a: {  	_ =	shalt  }
0x4b: {  	_ =	shalt  }
0x4c: {  	_ =	shalt  }
0x4d: {  	_ =	shalt  }
0x4e: {  	_ =	shalt  }
0x4f: {  	_ =	shalt  }
0x50: {  	_ =	shalt  }
0x51: {  	_ =	shalt  }
0x52: {  	_ =	shalt  }
0x53: {  	_ =	shalt  }
0x54: {  	_ =	shalt  }
0x55: {  	_ =	shalt  }
0x56: {  	_ =	shalt  }
0x57: {  	_ =	shalt  }
0x58: {  	_ =	shalt  }
0x59: {  	_ =	shalt  }
0x5a: {  	_ =	shalt  }
0x5b: {  	_ =	shalt  }
0x5c: {  	_ =	shalt  }
0x5d: {  	_ =	shalt  }
0x5e: {  	_ =	shalt  }
0x5f: {  	_ =	shalt  }
0x60: {  	_ =	shalt  }
0x61: {  	_ =	shalt  }
0x62: {  	_ =	shalt  }
0x63: {  	_ =	shalt  }
0x64: {  	_ =	shalt  }
0x65: {  	_ =	shalt  }
0x66: {  	_ =	shalt  }
0x67: {  	_ =	shalt  }
0x68: {  	_ =	shalt  }
0x69: {  	_ =	shalt  }
0x6a: {  	_ =	shalt  }
0x6b: {  	_ =	shalt  }
0x6c: {  	_ =	shalt  }
0x6d: {  	_ =	shalt  }
0x6e: {  	_ =	shalt  }
0x6f: {  	_ =	shalt  }
0x70: {  	_ =	shalt  }
0x71: {  	_ =	shalt  }
0x72: {  	_ =	shalt  }
0x73: {  	_ =	shalt  }
0x74: {  	_ =	shalt  }
0x75: {  	_ =	shalt  }
0x76: {  	_ =	shalt  }
0x77: {  	_ =	shalt  }
0x78: {  	_ =	shalt  }
0x79: {  	_ =	shalt  }
0x7a: {  	_ =	shalt  }
0x7b: {  	_ =	shalt  }
0x7c: {  	_ =	shalt  }
0x7d: {  	_ =	shalt  }
0x7e: {  	_ =	shalt  }
0x7f: {  	_ =	shalt  }
0x80: {  	_ =	shalt  }
0x81: {  	_ =	shalt  }
0x82: {  	_ =	shalt  }
0x83: {  	_ =	shalt  }
0x84: {  	_ =	shalt  }
0x85: {  	_ =	shalt  }
0x86: {  	_ =	shalt  }
0x87: {  	_ =	shalt  }
.Lfunc_end0:
.L_simem_size_0:
called_computation_lowered:
.L_overlay_start_0:
0x88: {  	s2 =	sld [smem:$0x3FD9]  }
0x89: {  	s3 =	sld [smem:$0x3FFE];
	_ =	sdelay $0x1  }
0x8a: {  	s1 =	srdreg.scid  }
0x8b: {  	s0 =	sand.u32 $0x1, s1  }
0x8c: {  	s17 =	sshll.u32 s0, $0xA;
	s2 =	sadd.s32 s3, s2  }
0x8d: {  	s2 =	sadd.s32 s2, s17  }
0x8e: {  	[smem:$0x3FBC] =	sst s2  }
0x8f: {  	_ = 	snop  }
0x90: {  	s2 =	sld [smem:$0x3FD0];
	(tm) =	ssettm $0x1  }
0x91: {  	s18 =	sld [smem:$0x3FFB];
	_ =	sdelay $0x3  }
0x92: {  	_ =	strace s18  }
0x93: {  	s3 =	sld [smem:$0x3FFC];
	_ =	sdelay $0x3  }
0x94: {  	_ =	strace s3  }
0x95: {  	s3 =	sld [smem:$0x3FFD];
	_ =	sdelay $0x3  }
0x96: {  	_ =	strace s3  }
0x97: {  	_ =	strace $0x8FFFFFFF  }
0x98: {  	s19 =	sld [smem:$0x3FDB];
	_ =	sdelay $0x1  }
0x99: {  	s4 =	simm.s32 $_scs_section_size  }
0x9a: {  	s5 =	simm.s32 $_size__tile_overlayer_lowered;
	s6 =	simm.s32 $_tile_overlayer_lowered  }
0x9b: {  	s22 =	simm.s32 $0x1BFF;
	s21 =	sshll.u32 s6, $0x1;
	s3 =	sadd.s32 s4, s19  }
0x9c: {  	s7 =	simm.s32 $0x0;
	s20 =	sshll.u32 s5, $0x1;
	s5 =	sadd.s32 s21, s3  }
0x9d: {  	[timem:s7], [sflag:s22] =	dma.local [hbm:s5], s20  }
0x9e: {  	_ =	swait.ge [sflag:s22], s20  }
0x9f: {  	s4 =	ssub.s32 $0x0, s20;
	[sflag:s22] =	ssyncset.done $0x0  }
0xa0: {  	[sflag:s22] =	ssyncadd.s32 s4;
	_ =	sdelay $0x1  }
0xa1: {  	s23 =	simm.s32 $0x1B8B  }
0xa2: {  	_ =	swait.ge [sflag:s23], $0x1  }
0xa3: {  	[sflag:s23] =	ssyncset.done $0x0  }
0xa4: {  	s25 =	simm.s32 $0x1B8E;
	s24 =	sld [smem:$0x3FFE];
	[sflag:s23] =	ssyncadd.s32 $0xFFFFFFFF  }
0xa5: {  	s26 =	simm.s32 $execute0_lowered;
	[smem:$0x3FD2] =	sst s25  }
0xa6: {  	s5 =	sshll.u32 s26, $0x1;
	_ =	strace $0x80000046;
	[dreg:$0x1] =	wrdreg $0xFFFFFFFF  }
0xa7: {  	s28 =	simm.s32 $_size_execute0_lowered;
	s3 =	sadd.s32 s3, s5;
	[dreg:$0x0] =	wrdreg $0x0  }
0xa8: {  	s5 =	sshll.u32 s28, $0x1;
	[dreg:$0x2] =	wrdreg s3  }
0xa9: {  	[dreg:$0x3] =	wrdreg s5  }
0xaa: {  	[dreg:$0x4] =	wrdreg $0xC0  }
0xab: {  	_ =	task [dreg:s7], $0x5FFFF  }
0xac: {  	[dreg:$0x1] =	wrdreg $0xFFFFFFFF  }
0xad: {  	[dreg:$0x0] =	wrdreg $0x60  }
0xae: {  	[dreg:$0x2] =	wrdreg s24  }
0xaf: {  	[dreg:$0x3] =	wrdreg s2  }
0xb0: {  	[dreg:$0x4] =	wrdreg $0x9  }
0xb1: {  	_ =	task.clear_ibuf [dreg:s7], $0x5FFFF;
	_ =	strace $0x90000046  }
0xb2: {  	s29 =	simm.s32 $0x9;
	_ =	strace $0x80000048  }
0xb3: {  	_ =	swait.ge [sflag:s29], $0x1  }
0xb4: {  	[sflag:s29] =	ssyncadd.s32 $0xFFFFFFFF  }
0xb5: {  	_ =	strace $0x90000048  }
0xb6: {  	_ =	sfence  }
0xb7: {  	s30 =	sld [smem:$0x0];
	_ =	sdelay $0x2  }
0xb8: {  	s31 =	sshll.u32 s1, $0xD;
	s1 =	sshrl.u32 s1, $0x2  }
0xb9: {  	s3 =	sand.u32 $0x4000, s31;
	s1 =	sadd.s32 s1, s30  }
0xba: {  	s0 =	sor.u32 s3, s0;
	s1 =	sshll.u32 s1, $0x11  }
0xbb: {  	s0 =	sor.u32 s1, s0  }
0xbc: {  	s0 =	sadd.s32 $0x8F2B, s0  }
0xbd: {  	[sflag:s0] =	ssyncadd.remote.s32 $0x1  }
0xbe: {  	_ =	sfence.sel $0xFFFF  }
0xbf: {  	[dreg:$0x0] =	wrdreg $0xFFFFFFFF;
	(pc) =	sbr.abs _section_cstart, $3  }
0xc0: {  	[dreg:$0x1] =	wrdreg $0xFFFFFFFF  }
0xc1: {  	_ =	task.clear_ibuf [dreg:s7], $0x2FFFF;
	_ =	strace $0x9FFFFFFF  }
0xc2: {  	(tm) =	ssettm $0x7FFFFFFF  }
0xc3: {  	_ =	shalt  }
tec
execute0_lowered:
.L_overlay_start_1:
0x0: {  	(tag) =	ssettag $0x1  }
0x1: {  	s4 =	rddreg [dreg:$0x0];
	s1 =	srdreg.scid  }
0x2: {  	s0 =	stileid.u32;
	s2 =	rddreg [dreg:$0x1];
	s3 =	simm.s32 $0x0  }
0x3: {  	s16 =	simm.s32 $0xEC00;
	s17 =	simm.s32 $0x11380;
	s18 =	simm.s32 $0x4E80  }
0x4: {  	s19 =	simm.s32 $0x13B00;
	s20 =	simm.s32 $0x16280;
	s21 =	simm.s32 $0x18A00  }
0x5: {  	s22 =	simm.s32 $0x1;
	s23 =	simm.s32 $0x2;
	s7 =	sshrl.u32 s0, $0x2  }
0x6: {  	s5 =	sand.u32 $0x1, s1;
	s1 =	rddreg [dreg:$0x2];
	s10 =	smul.u32 $0x2710, s7  }
0x7: {  	s6 =	sshll.u32 s0, $0x1;
	[smem:$0x7FF] =	sst s3;
	s12 =	smul.u32 $0x4E20, s7  }
0x8: {  	s9 =	sadd.s32 $0x1800, s4;
	s8 =	sor.u32 s5, s6;
	s24 =	smul.u32 $0x4E2, s7  }
0x9: {  	s14 =	sadd.s32 $0x15400, s4;
	_ =	strace $0x80000047;
	s29 =	smul.u32 $0x7530, s8  }
0xa: {  	s5 =	ssub.s32 $0x2, s5;
	s6 =	sand.u32 $0x7, s8;
	s30 =	smul.u32 $0xEA6, s8  }
0xb: {  	s11 =	sshrl.u32 s5, $0x1;
	s6 =	smul.u32 $0x4E20, s6;
	s25 =	sshrl.u32 s10, $0x3  }
0xc: {  	s15 =	ssub.s32 s5, s11;
	s26 =	sshrl.u32 s12, $0x3;
	s5 =	sadd.s32 s9, s25  }
0xd: {  	s28 =	sadd.s32 s9, s26;
	s10 =	sshrl.u32 s29, $0x3;
	s6 =	sshrl.u32 s6, $0x3  }
0xe: {  	s5 =	sadd.s32 $0x1388, s5;
	s7 =	sadd.s32 $0x2BF2, s28;
	s31 =	sadd.s32 s14, s10  }
0xf: {  	s10 =	sadd.s32 s14, s30;
	s14 =	simm.s32 $0x9D00;
	s13 =	sadd.s32 s6, s4  }
0x10: {  	s4 =	sadd.s32 s9, s24;
	s6 =	sadd.s32 $0x2710, s28;
	s11 =	sadd.s32 $0x4E2, s31  }
0x11: {  	s12 =	sadd.s32 $0x9C4, s31;
	s24 =	simm.s32 $0x0;
	s8 =	sadd.s32 $0xB600, s13  }
0x12: {  	s9 =	sadd.s32 $0x10420, s13;
	s13 =	smax.u32 s15, $0x1;
	s15 =	simm.s32 $0xC480  }
.LBB2_1:
0x13: {  	[tilespmem:s14], [sflag:$0x1] =	stream.linear.gather [hbm4b:s4+s3], $0x2710, $0x38;
	[tilespmem:$0x1B180] =	vst v63  }
0x14: {  	_ = 	snop  }
0x15: {  	[tilespmem:s15], [sflag:$0x1] =	stream.linear.gather [hbm4b:s5+s3], $0x2710, $0x38;
	[tilespmem:$0x1B180] =	vst v63  }
0x16: {  	_ = 	snop  }
0x17: {  	[tilespmem:s16], [sflag:$0x1] =	stream.linear.gather [hbm4b:s6+s3], $0x2710, $0x38;
	[tilespmem:$0x1B180] =	vst v63  }
0x18: {  	_ = 	snop  }
0x19: {  	[tilespmem:s17], [sflag:$0x1] =	stream.linear.gather [hbm4b:s7+s3], $0x2710, $0x38;
	[tilespmem:$0x1B180] =	vst v63  }
0x1a: {  	_ = 	snop  }
0x1b: {  	[tilespmem:s3], [sflag:$0x1] =	stream.linear.gather [hbm4b:s8+s3], $0x4E20, $0x38;
	[tilespmem:$0x1B180] =	vst v63  }
0x1c: {  	_ = 	snop  }
0x1d: {  	[tilespmem:s18], [sflag:$0x1] =	stream.linear.gather [hbm4b:s9+s3], $0x4E20, $0x38;
	[tilespmem:$0x1B180] =	vst v63  }
0x1e: {  	_ = 	snop  }
0x1f: {  	[tilespmem:s19], [sflag:$0x1] =	stream.linear.gather [hbm4b:s2+s3], $0x2780, $0x38;
	[tilespmem:$0x1B180] =	vst v63  }
0x20: {  	_ = 	snop  }
0x21: {  	[tilespmem:s20], [sflag:$0x1] =	stream.linear.gather [hbm4b:s2+s3], $0x2780, $0x38;
	[tilespmem:$0x1B180] =	vst v63  }
0x22: {  	_ = 	snop  }
0x23: {  	[tilespmem:s21], [sflag:$0x1] =	stream.linear.gather [hbm4b:s2+s3], $0x2780, $0x38;
	[tilespmem:$0x1B180] =	vst v63  }
0x24: {  	_ =	swait.ge [sflag:s22], $0x2710  }
0x25: {  	[sflag:s22] =	ssyncset.done $0x0  }
0x26: {  	[sflag:s22] =	ssyncadd.s32 $0xFFFFD8F0  }
0x27: {  	_ =	swait.ge [sflag:s22], $0x2710  }
0x28: {  	[sflag:s22] =	ssyncset.done $0x0  }
0x29: {  	[sflag:s22] =	ssyncadd.s32 $0xFFFFD8F0  }
0x2a: {  	_ =	swait.ge [sflag:s22], $0x2710  }
0x2b: {  	[sflag:s22] =	ssyncset.done $0x0  }
0x2c: {  	[sflag:s22] =	ssyncadd.s32 $0xFFFFD8F0  }
0x2d: {  	_ =	swait.ge [sflag:s22], $0x2710  }
0x2e: {  	[sflag:s22] =	ssyncset.done $0x0  }
0x2f: {  	[sflag:s22] =	ssyncadd.s32 $0xFFFFD8F0  }
0x30: {  	_ =	swait.ge [sflag:s22], $0x4E20  }
0x31: {  	[sflag:s22] =	ssyncset.done $0x0  }
0x32: {  	[sflag:s22] =	ssyncadd.s32 $0xFFFFB1E0  }
0x33: {  	_ =	swait.ge [sflag:s22], $0x4E20  }
0x34: {  	[sflag:s22] =	ssyncset.done $0x0  }
0x35: {  	[sflag:s22] =	ssyncadd.s32 $0xFFFFB1E0  }
0x36: {  	_ =	swait.ge [sflag:s22], $0x2780  }
0x37: {  	[sflag:s22] =	ssyncset.done $0x0  }
0x38: {  	[sflag:s22] =	ssyncadd.s32 $0xFFFFD880  }
0x39: {  	_ =	swait.ge [sflag:s22], $0x2780  }
0x3a: {  	[sflag:s22] =	ssyncset.done $0x0  }
0x3b: {  	[sflag:s22] =	ssyncadd.s32 $0xFFFFD880  }
0x3c: {  	_ =	swait.ge [sflag:s22], $0x2780  }
0x3d: {  	[sflag:s22] =	ssyncset.done $0x0  }
0x3e: {  	s25 =	simm.s32 $0x40;
	[sflag:s22] =	ssyncadd.s32 $0xFFFFD880  }
0x3f: {  	s26 =	simm.s32 $0x4EC0;
	v9 =	vld [tilespmem:s25+$0x0]  }
0x40: {  	v8 =	vld [tilespmem:s26+$0xFFFFFFF0]  }
0x41: {  	v5 =	vld [tilespmem:s25+$0xFFFFFFC0]  }
0x42: {  	v10 =	vld [tilespmem:s25+$0x30]  }
0x43: {  	v0 =	vld [tilespmem:s26+$0xFFFFFFC0]  }
0x44: {  	v2 =	vld [tilespmem:s26+$0xFFFFFFD0]  }
0x45: {  	v4 =	vld [tilespmem:s26+$0x0]  }
0x46: {  	v1 =	vld [tilespmem:s26+$0xFFFFFFE0]  }
0x47: {  	v13 =	vld [tilespmem:s26+$0x30]  }
0x48: {  	v15 =	vld [tilespmem:s25+$0x20]  }
0x49: {  	v3 =	vld.idx.msk [tilespmem:v5+s17+$0x0], $0xffff  }
0x4a: {  	v6 =	vld.idx.msk [tilespmem:v5+s16+$0x0], $0xffff  }
0x4b: {  	v14 =	vld.idx.msk [tilespmem:v5+s14+$0x0], $0xffff  }
0x4c: {  	v5 =	vld [tilespmem:s26+$0x20]  }
0x4d: {  	v11 =	vld [tilespmem:s25+$0x10]  }
0x4e: {  	v12 =	vld [tilespmem:s26+$0x10]  }
0x4f: {  	v17 =	vld [tilespmem:s25+$0xFFFFFFD0]  }
0x50: {  	v23 =	vld [tilespmem:s25+$0xFFFFFFF0]  }
0x51: {  	v7 =	vld.idx.msk [tilespmem:v13+s15+$0x0], $0xffff  }
0x52: {  	v19 =	vld.idx.msk [tilespmem:v10+s14+$0x0], $0xffff  }
0x53: {  	v22 =	vld.idx.msk [tilespmem:v15+s14+$0x0], $0xffff  }
0x54: {  	v21 =	vld.idx.msk [tilespmem:v5+s15+$0x0], $0xffff  }
0x55: {  	v25 =	vld [tilespmem:s25+$0xFFFFFFE0]  }
0x56: {  	v16 =	vld.idx.msk [tilespmem:v11+s17+$0x0], $0xffff  }
0x57: {  	v18 =	vld.idx.msk [tilespmem:v10+s16+$0x0], $0xffff;
	v7 =	vadd.f32 v7, v19  }
0x58: {  	v47 =	vld.idx.msk [tilespmem:v12+s15+$0x0], $0xffff  }
0x59: {  	v26 =	vld.idx.msk [tilespmem:v11+s14+$0x0], $0xffff;
	v27 =	vmul.f32 $2.000000030e-01, v7;
	v21 =	vadd.f32 v21, v22  }
0x5a: {  	v20 =	vld.idx.msk [tilespmem:v9+s17+$0x0], $0xffff;
	vm0 =	vge.f32 v7, $0.0e+00  }
0x5b: {  	v24 =	vld.idx.msk [tilespmem:v17+s17+$0x0], $0xffff;
	v7 =	vsel vm0, v7, v27;
	v29 =	vmul.f32 $2.000000030e-01, v21  }
0x5c: {  	v28 =	vld.idx.msk [tilespmem:v4+s15+$0x0], $0xffff;
	v7 =	vmul.f32 $1.442695020e+00, v7;
	vm10 =	vge.f32 v21, $0.0e+00  }
0x5d: {  	v48 =	vld.idx.msk [tilespmem:v9+s14+$0x0], $0xffff;
	v21 =	vsel vm10, v21, v29  }
0x5e: {  	v49 =	vld.idx.msk [tilespmem:v8+s15+$0x0], $0xffff;
	v19 =	vadd.f32 v47, v26;
	(erf) = vpow2.f32 v7;
	v7 =	vmul.f32 $1.442695020e+00, v21  }
0x5f: {  	v30 =	vld.idx.msk [tilespmem:v23+s14+$0x0], $0xffff  }
0x60: {  	v31 =	vld.idx.msk [tilespmem:v1+s15+$0x0], $0xffff;
	v32 =	vmul.f32 $2.000000030e-01, v19;
	(erf) = vpow2.f32 v7  }
0x61: {  	v50 =	vld.idx.msk [tilespmem:v25+s14+$0x0], $0xffff;
	vm11 =	vge.f32 v19, $0.0e+00  }
0x62: {  	v51 =	vld.idx.msk [tilespmem:v2+s15+$0x0], $0xffff;
	v19 =	vsel vm11, v19, v32  }
0x63: {  	v52 =	vld.idx.msk [tilespmem:v17+s14+$0x0], $0xffff;
	v19 =	vmul.f32 $1.442695020e+00, v19  }
0x64: {  	v53 =	vld.idx.msk [tilespmem:v15+s17+$0x0], $0xffff  }
0x65: {  	v15 =	vld.idx.msk [tilespmem:v15+s16+$0x0], $0xffff;
	v22 =	vadd.f32 v28, v48;
	(erf) = vpow2.f32 v19  }
0x66: {  	v33 =	vld.idx.msk [tilespmem:v0+s15+$0x0], $0xffff;
	v27 =	vadd.f32 v49, v30  }
0x67: {  	v10 =	vld.idx.msk [tilespmem:v10+s17+$0x0], $0xffff;
	v28 =	vmul.f32 $2.000000030e-01, v22  }
0x68: {  	v55 =	vld.idx.msk [tilespmem:v23+s16+$0x0], $0xffff;
	v54 =	vmul.f32 $2.000000030e-01, v27;
	vm12 =	vge.f32 v22, $0.0e+00;
	v56 =	vpop (erf)  }
0x69: {  	v11 =	vld.idx.msk [tilespmem:v11+s16+$0x0], $0xffff;
	v57 =	vadd.f32 v31, v50;
	vm13 =	vge.f32 v27, $0.0e+00;
	v22 =	vsel vm12, v22, v28;
	v59 =	vpop (erf)  }
0x6a: {  	v9 =	vld.idx.msk [tilespmem:v9+s16+$0x0], $0xffff;
	v22 =	vmul.f32 $1.442695020e+00, v22;
	v19 =	vsel vm13, v27, v54;
	v15 =	vmul.f32 v59, v15  }
0x6b: {  	v17 =	vld.idx.msk [tilespmem:v17+s16+$0x0], $0xffff;
	v21 =	vadd.f32 v51, v52;
	v19 =	vmul.f32 $1.442695020e+00, v19  }
0x6c: {  	v62 =	vld.idx.msk [tilespmem:v23+s17+$0x0], $0xffff;
	v29 =	vmul.f32 $2.000000030e-01, v57;
	(erf) = vpow2.f32 v22  }
0x6d: {  	v58 =	vmul.f32 $2.000000030e-01, v21;
	(erf) = vpow2.f32 v19;
	[tilespmem:v5+s19+$0x0] =	vst.idx.add.f32.msk $0xffff, v59  }
0x6e: {  	v14 =	vadd.f32 v33, v14;
	vm1 =	vge.f32 v57, $0.0e+00;
	vm14 =	vge.f32 v21, $0.0e+00;
	[tilespmem:v5+s20+$0x0] =	vst.idx.add.f32.msk $0xffff, v15;
	v15 =	vpop (erf)  }
0x6f: {  	v63 =	vld.idx.msk [tilespmem:v25+s16+$0x0], $0xffff;
	v61 =	vsel vm1, v57, v29;
	v60 =	vsel vm14, v21, v58;
	v11 =	vmul.f32 v15, v11  }
0x70: {  	v21 =	vmul.f32 $1.442695020e+00, v61;
	v19 =	vmul.f32 $1.442695020e+00, v60;
	[tilespmem:v12+s19+$0x0] =	vst.idx.add.f32.msk $0xffff, v15  }
0x71: {  	v10 =	vmul.f32 v56, v10;
	[tilespmem:v12+s20+$0x0] =	vst.idx.add.f32.msk $0xffff, v11;
	v11 =	vmul.f32 $2.000000030e-01, v14  }
0x72: {  	vm15 =	vge.f32 v14, $0.0e+00;
	v7 =	vld.idx.msk [tilespmem:v25+s17+$0x0], $0xffff;
	v18 =	vmul.f32 v56, v18;
	(erf) = vpow2.f32 v19  }
0x73: {  	[tilespmem:v13+s19+$0x0] =	vst.idx.add.f32.msk $0xffff, v56;
	(erf) = vpow2.f32 v21;
	v11 =	vsel vm15, v14, v11  }
0x74: {  	[tilespmem:v13+s20+$0x0] =	vst.idx.add.f32.msk $0xffff, v18;
	v11 =	vmul.f32 $1.442695020e+00, v11  }
0x75: {  	[tilespmem:v13+s21+$0x0] =	vst.idx.add.f32.msk $0xffff, v10;
	v15 =	vmul.f32 v15, v16;
	v10 =	vpop (erf)  }
0x76: {  	v9 =	vmul.f32 v10, v9;
	[tilespmem:v4+s19+$0x0] =	vst.idx.add.f32.msk $0xffff, v10;
	v13 =	vpop (erf);
	(erf) = vpow2.f32 v11  }
0x77: {  	[tilespmem:v12+s21+$0x0] =	vst.idx.add.f32.msk $0xffff, v15;
	v12 =	vmul.f32 v13, v55  }
0x78: {  	[tilespmem:v4+s20+$0x0] =	vst.idx.add.f32.msk $0xffff, v9  }
0x79: {  	[tilespmem:v8+s19+$0x0] =	vst.idx.add.f32.msk $0xffff, v13;
	v13 =	vmul.f32 v13, v62  }
0x7a: {  	[tilespmem:v8+s20+$0x0] =	vst.idx.add.f32.msk $0xffff, v12  }
0x7b: {  	v15 =	vmul.f32 v59, v53;
	[tilespmem:v8+s21+$0x0] =	vst.idx.add.f32.msk $0xffff, v13;
	v12 =	vpop (erf)  }
0x7c: {  	v8 =	vmul.f32 v10, v20;
	[tilespmem:v2+s19+$0x0] =	vst.idx.add.f32.msk $0xffff, v12;
	v9 =	vpop (erf);
	v14 =	vmul.f32 v12, v17  }
0x7d: {  	s28 =	simm.s32 $0x0;
	v11 =	vmul.f32 v12, v24;
	[tilespmem:v1+s19+$0x0] =	vst.idx.add.f32.msk $0xffff, v9;
	v12 =	vmul.f32 v9, v63  }
.LBB2_2:
0x7e: {  	s28 =	sadd.s32 $0x8, s28;
	[tilespmem:v2+s20+$0x0] =	vst.idx.add.f32.msk $0xffff, v14;
	s25 =	sadd.s32 $0x80, s25;
	s26 =	sadd.s32 $0x80, s26  }
0x7f: {  	p0 =	slt.u32 s28, $0x4D8;
	[tilespmem:v4+s21+$0x0] =	vst.idx.add.f32.msk $0xffff, v8;
	v4 =	vpop (erf)  }
0x80: {  	[tilespmem:v2+s21+$0x0] =	vst.idx.add.f32.msk $0xffff, v11;
	v2 =	vmul.f32 v9, v7  }
0x81: {  	v6 =	vmul.f32 v4, v6;
	[tilespmem:v1+s20+$0x0] =	vst.idx.add.f32.msk $0xffff, v12  }
0x82: {  	v3 =	vmul.f32 v4, v3;
	[tilespmem:v1+s21+$0x0] =	vst.idx.add.f32.msk $0xffff, v2  }
0x83: {  	[tilespmem:v5+s21+$0x0] =	vst.idx.add.f32.msk $0xffff, v15  }
0x84: {  	[tilespmem:v0+s19+$0x0] =	vst.idx.add.f32.msk $0xffff, v4  }
0x85: {  	[tilespmem:v0+s20+$0x0] =	vst.idx.add.f32.msk $0xffff, v6  }
0x86: {  	[tilespmem:v0+s21+$0x0] =	vst.idx.add.f32.msk $0xffff, v3  }
0x87: {  	v12 =	vld [tilespmem:s25+$0x0]  }
0x88: {  	v8 =	vld [tilespmem:s26+$0xFFFFFFF0]  }
0x89: {  	v15 =	vld [tilespmem:s25+$0x30]  }
0x8a: {  	v5 =	vld [tilespmem:s25+$0xFFFFFFC0]  }
0x8b: {  	v0 =	vld [tilespmem:s26+$0xFFFFFFC0]  }
0x8c: {  	v2 =	vld [tilespmem:s26+$0xFFFFFFD0]  }
0x8d: {  	v4 =	vld [tilespmem:s26+$0x0]  }
0x8e: {  	v1 =	vld [tilespmem:s26+$0xFFFFFFE0]  }
0x8f: {  	v16 =	vld [tilespmem:s25+$0x10]  }
0x90: {  	v9 =	vld [tilespmem:s26+$0x10]  }
0x91: {  	v11 =	vld [tilespmem:s26+$0x30]  }
0x92: {  	v3 =	vld.idx.msk [tilespmem:v5+s17+$0x0], $0xffff  }
0x93: {  	v6 =	vld.idx.msk [tilespmem:v5+s16+$0x0], $0xffff  }
0x94: {  	v17 =	vld.idx.msk [tilespmem:v5+s14+$0x0], $0xffff  }
0x95: {  	v5 =	vld [tilespmem:s26+$0x20]  }
0x96: {  	v18 =	vld [tilespmem:s25+$0x20]  }
0x97: {  	v14 =	vld.idx.msk [tilespmem:v16+s17+$0x0], $0xffff  }
0x98: {  	v19 =	vld [tilespmem:s25+$0xFFFFFFD0]  }
0x99: {  	v7 =	vld.idx.msk [tilespmem:v11+s15+$0x0], $0xffff  }
0x9a: {  	v20 =	vld.idx.msk [tilespmem:v15+s16+$0x0], $0xffff  }
0x9b: {  	v21 =	vld.idx.msk [tilespmem:v15+s14+$0x0], $0xffff  }
0x9c: {  	v10 =	vld.idx.msk [tilespmem:v12+s17+$0x0], $0xffff  }
0x9d: {  	v22 =	vld.idx.msk [tilespmem:v5+s15+$0x0], $0xffff  }
0x9e: {  	v23 =	vld.idx.msk [tilespmem:v18+s14+$0x0], $0xffff  }
0x9f: {  	v24 =	vld [tilespmem:s25+$0xFFFFFFF0]  }
0xa0: {  	v13 =	vld.idx.msk [tilespmem:v19+s17+$0x0], $0xffff  }
0xa1: {  	v7 =	vadd.f32 v7, v21;
	v25 =	vld [tilespmem:s25+$0xFFFFFFE0]  }
0xa2: {  	v21 =	vld.idx.msk [tilespmem:v9+s15+$0x0], $0xffff  }
0xa3: {  	v27 =	vmul.f32 $2.000000030e-01, v7;
	v26 =	vld.idx.msk [tilespmem:v16+s14+$0x0], $0xffff  }
0xa4: {  	vm0 =	vge.f32 v7, $0.0e+00;
	v22 =	vadd.f32 v22, v23;
	v28 =	vld.idx.msk [tilespmem:v4+s15+$0x0], $0xffff  }
0xa5: {  	v7 =	vsel vm0, v7, v27;
	v23 =	vld.idx.msk [tilespmem:v12+s14+$0x0], $0xffff  }
0xa6: {  	v29 =	vmul.f32 $2.000000030e-01, v22;
	v7 =	vmul.f32 $1.442695020e+00, v7;
	v27 =	vld.idx.msk [tilespmem:v8+s15+$0x0], $0xffff  }
0xa7: {  	vm0 =	vge.f32 v22, $0.0e+00;
	v30 =	vld.idx.msk [tilespmem:v24+s14+$0x0], $0xffff  }
0xa8: {  	v22 =	vsel vm0, v22, v29;
	v31 =	vld.idx.msk [tilespmem:v1+s15+$0x0], $0xffff;
	(erf) = vpow2.f32 v7  }
0xa9: {  	v21 =	vadd.f32 v21, v26;
	v7 =	vmul.f32 $1.442695020e+00, v22;
	v29 =	vld.idx.msk [tilespmem:v25+s14+$0x0], $0xffff  }
0xaa: {  	v22 =	vld.idx.msk [tilespmem:v2+s15+$0x0], $0xffff  }
0xab: {  	v23 =	vadd.f32 v28, v23;
	v28 =	vmul.f32 $2.000000030e-01, v21;
	v26 =	vld.idx.msk [tilespmem:v19+s14+$0x0], $0xffff;
	(erf) = vpow2.f32 v7  }
0xac: {  	vm0 =	vge.f32 v21, $0.0e+00;
	v32 =	vld.idx.msk [tilespmem:v0+s15+$0x0], $0xffff  }
0xad: {  	v27 =	vadd.f32 v27, v30;
	v30 =	vmul.f32 $2.000000030e-01, v23;
	v21 =	vsel vm0, v21, v28;
	v7 =	vld.idx.msk [tilespmem:v25+s17+$0x0], $0xffff  }
0xae: {  	vm0 =	vge.f32 v23, $0.0e+00;
	v21 =	vmul.f32 $1.442695020e+00, v21;
	v28 =	vld.idx.msk [tilespmem:v15+s17+$0x0], $0xffff  }
0xaf: {  	v15 =	vadd.f32 v31, v29;
	v31 =	vmul.f32 $2.000000030e-01, v27;
	v23 =	vsel vm0, v23, v30;
	v30 =	vld.idx.msk [tilespmem:v18+s17+$0x0], $0xffff  }
0xb0: {  	vm0 =	vge.f32 v27, $0.0e+00;
	v23 =	vmul.f32 $1.442695020e+00, v23;
	v18 =	vld.idx.msk [tilespmem:v18+s16+$0x0], $0xffff;
	(erf) = vpow2.f32 v21  }
0xb1: {  	v21 =	vadd.f32 v22, v26;
	v22 =	vmul.f32 $2.000000030e-01, v15;
	v27 =	vsel vm0, v27, v31;
	v26 =	vld.idx.msk [tilespmem:v24+s16+$0x0], $0xffff;
	v29 =	vpop (erf)  }
0xb2: {  	v17 =	vadd.f32 v32, v17;
	v27 =	vmul.f32 $1.442695020e+00, v27;
	v16 =	vld.idx.msk [tilespmem:v16+s16+$0x0], $0xffff;
	v31 =	vmul.f32 v29, v20  }
0xb3: {  	vm0 =	vge.f32 v15, $0.0e+00;
	[tilespmem:v11+s19+$0x0] =	vst.idx.add.f32.msk $0xffff, v29;
	(erf) = vpow2.f32 v23  }
0xb4: {  	v22 =	vsel vm0, v15, v22;
	v23 =	vmul.f32 $2.000000030e-01, v21;
	[tilespmem:v11+s20+$0x0] =	vst.idx.add.f32.msk $0xffff, v31;
	(erf) = vpow2.f32 v27;
	v20 =	vpop (erf)  }
0xb5: {  	vm1 =	vge.f32 v21, $0.0e+00;
	vm0 =	vge.f32 v17, $0.0e+00;
	[tilespmem:v5+s19+$0x0] =	vst.idx.add.f32.msk $0xffff, v20;
	v15 =	vmul.f32 v20, v30  }
0xb6: {  	v27 =	vmul.f32 $2.000000030e-01, v17;
	v21 =	vsel vm1, v21, v23;
	v18 =	vmul.f32 v20, v18;
	v12 =	vld.idx.msk [tilespmem:v12+s16+$0x0], $0xffff  }
0xb7: {  	v23 =	vmul.f32 $1.442695020e+00, v21;
	v21 =	vmul.f32 $1.442695020e+00, v22;
	v19 =	vld.idx.msk [tilespmem:v19+s16+$0x0], $0xffff  }
0xb8: {  	[tilespmem:v5+s20+$0x0] =	vst.idx.add.f32.msk $0xffff, v18  }
0xb9: {  	v17 =	vsel vm0, v17, v27;
	v22 =	vmul.f32 v29, v28;
	v18 =	vld.idx.msk [tilespmem:v24+s17+$0x0], $0xffff;
	(erf) = vpow2.f32 v23;
	v20 =	vpop (erf)  }
0xba: {  	v17 =	vmul.f32 $1.442695020e+00, v17;
	[tilespmem:v9+s19+$0x0] =	vst.idx.add.f32.msk $0xffff, v20;
	(erf) = vpow2.f32 v21  }
0xbb: {  	v16 =	vmul.f32 v20, v16;
	v21 =	vld.idx.msk [tilespmem:v25+s16+$0x0], $0xffff  }
0xbc: {  	v14 =	vmul.f32 v20, v14;
	[tilespmem:v11+s21+$0x0] =	vst.idx.add.f32.msk $0xffff, v22;
	v20 =	vpop (erf)  }
0xbd: {  	v11 =	vmul.f32 v20, v12;
	[tilespmem:v9+s20+$0x0] =	vst.idx.add.f32.msk $0xffff, v16;
	v12 =	vpop (erf)  }
0xbe: {  	v16 =	vmul.f32 v12, v26;
	[tilespmem:v9+s21+$0x0] =	vst.idx.add.f32.msk $0xffff, v14;
	(erf) = vpow2.f32 v17  }
0xbf: {  	v17 =	vmul.f32 v12, v18;
	[tilespmem:v8+s19+$0x0] =	vst.idx.add.f32.msk $0xffff, v12  }
0xc0: {  	[tilespmem:v4+s19+$0x0] =	vst.idx.add.f32.msk $0xffff, v20  }
.Ltmp0:
0xc1: {  	[tilespmem:v4+s20+$0x0] =	vst.idx.add.f32.msk $0xffff, v11;
	(pc) =	sbr.rel @p0 .LBB2_2-.Ltmp0, $4  }
0xc2: {  	[tilespmem:v8+s20+$0x0] =	vst.idx.add.f32.msk $0xffff, v16;
	v9 =	vpop (erf)  }
0xc3: {  	[tilespmem:v2+s19+$0x0] =	vst.idx.add.f32.msk $0xffff, v9;
	v14 =	vmul.f32 v9, v19;
	v11 =	vmul.f32 v9, v13;
	v9 =	vpop (erf)  }
0xc4: {  	[tilespmem:v1+s19+$0x0] =	vst.idx.add.f32.msk $0xffff, v9;
	v12 =	vmul.f32 v9, v21  }
0xc5: {  	s29 =	simm.s32 $0x0;
	[tilespmem:v8+s21+$0x0] =	vst.idx.add.f32.msk $0xffff, v17;
	v8 =	vmul.f32 v20, v10  }
0xc6: {  	_ =	sdelay $0x3  }
0xc7: {  	[tilespmem:v2+s20+$0x0] =	vst.idx.add.f32.msk $0xffff, v14  }
0xc8: {  	[tilespmem:v1+s20+$0x0] =	vst.idx.add.f32.msk $0xffff, v12  }
0xc9: {  	[tilespmem:v5+s21+$0x0] =	vst.idx.add.f32.msk $0xffff, v15  }
0xca: {  	v60 =	vmul.f32 v9, v7;
	[tilespmem:v4+s21+$0x0] =	vst.idx.add.f32.msk $0xffff, v8  }
0xcb: {  	[tilespmem:v2+s21+$0x0] =	vst.idx.add.f32.msk $0xffff, v11;
	v61 =	vpop (erf)  }
0xcc: {  	[tilespmem:v1+s21+$0x0] =	vst.idx.add.f32.msk $0xffff, v60;
	v62 =	vmul.f32 v61, v6  }
0xcd: {  	v63 =	vmul.f32 v61, v3;
	[tilespmem:v0+s19+$0x0] =	vst.idx.add.f32.msk $0xffff, v61  }
0xce: {  	[tilespmem:v0+s20+$0x0] =	vst.idx.add.f32.msk $0xffff, v62  }
0xcf: {  	[tilespmem:v0+s21+$0x0] =	vst.idx.add.f32.msk $0xffff, v63  }
.LBB2_4:
0xd0: {  	s25 =	sshra.s32 s29, $0x2  }
0xd1: {  	v0 =	vld [tilespmem:s25+$0x4E00]  }
0xd2: {  	v1 =	vld [tilespmem:s25+$0x9C80];
	_ =	sdelay $0x6  }
0xd3: {  	v2 =	vld.idx.msk [tilespmem:v0+s14+$0x0], $0xffff  }
0xd4: {  	v3 =	vld.idx.msk [tilespmem:v1+s15+$0x0], $0xffff;
	_ =	sdelay $0x4  }
0xd5: {  	v2 =	vadd.f32 v3, v2;
	_ =	sdelay $0x1  }
0xd6: {  	v3 =	vmul.f32 $2.000000030e-01, v2  }
0xd7: {  	vm0 =	vge.f32 v2, $0.0e+00  }
0xd8: {  	v2 =	vsel vm0, v2, v3  }
0xd9: {  	v2 =	vmul.f32 $1.442695020e+00, v2;
	_ =	sdelay $0x1  }
0xda: {  	(erf) = vpow2.f32 v2;
	_ =	sdelay $0x4  }
0xdb: {  	v62 =	vld.idx.msk [tilespmem:v0+s16+$0x0], $0xffff  }
0xdc: {  	v0 =	vld.idx.msk [tilespmem:v0+s17+$0x0], $0xffff;
	_ =	sdelay $0x1  }
0xdd: {  	p0 =	sne.s32 s29, $0x40  }
.Ltmp1:
0xde: {  	v63 =	vpop (erf);
	(pc) =	sbr.rel @p0 .LBB2_4-.Ltmp1, $4  }
0xdf: {  	v2 =	vmul.f32 v63, v62  }
0xe0: {  	[tilespmem:v1+s19+$0x0] =	vst.idx.add.f32.msk $0xffff, v63;
	v0 =	vmul.f32 v63, v0  }
0xe1: {  	[tilespmem:v1+s20+$0x0] =	vst.idx.add.f32.msk $0xffff, v2  }
0xe2: {  	s29 =	sadd.s32 $0x40, s29;
	[tilespmem:v1+s21+$0x0] =	vst.idx.add.f32.msk $0xffff, v0  }
0xe3: {  	[hbm4b:s10+s3] =	stream.linear.scatter [tilespmem:s19], [sflag:$0x2], $0x2710, $0x38;
	[tilespmem:$0x1B180] =	vst v63  }
0xe4: {  	_ =	swait.ge [sflag:s23], $0x2710  }
0xe5: {  	[sflag:s23] =	ssyncset.done $0x0  }
0xe6: {  	[sflag:s23] =	ssyncadd.s32 $0xFFFFD8F0  }
0xe7: {  	[hbm4b:s11+s3] =	stream.linear.scatter [tilespmem:s20], [sflag:$0x2], $0x2710, $0x38;
	[tilespmem:$0x1B180] =	vst v63  }
0xe8: {  	s24 =	sadd.s32 $0x1, s24;
	_ =	swait.ge [sflag:s23], $0x2710  }
0xe9: {  	p0 =	sne.s32 s24, s13;
	[sflag:s23] =	ssyncset.done $0x0  }
.Ltmp2:
0xea: {  	[sflag:s23] =	ssyncadd.s32 $0xFFFFD8F0;
	(pc) =	sbr.rel @p0 .LBB2_1-.Ltmp2, $4  }
0xeb: {  	[hbm4b:s12+s3] =	stream.linear.scatter [tilespmem:s21], [sflag:$0x2], $0x2710, $0x38;
	[tilespmem:$0x1B180] =	vst v63  }
0xec: {  	_ =	swait.ge [sflag:s23], $0x2710  }
0xed: {  	[sflag:s23] =	ssyncset.done $0x0  }
0xee: {  	[sflag:s23] =	ssyncadd.s32 $0xFFFFD8F0  }
0xef: {  	_ =	sfence.sel $0x180000  }
0xf0: {  	[bflag:$0x0] =	sbarrier.arrive $0xFFFF  }
0xf1: {  	p0 =	sne.s32 s0, $0x0;
	_ =	strace $0x90000047  }
0xf2: {  	s0 =	sadd.s32 @!p0 $0x100000, s1;
	[bflag:$0x2] =	sbarrier.arrive $0xFFFF  }
0xf3: {  	[sflag:s0] =	ssyncadd.tile.s32 @!p0 $0x1;
	_ =	shalt  }
.Lfunc_end2:
_tile_overlayer_lowered:
.L_overlay_start_2:
0xf4: {  	(tag) =	ssettag $0x2  }
0xf5: {  	s0 =	rddreg [dreg:$0x0];
	s2 =	stileid.u32  }
0xf6: {  	s1 =	rddreg [dreg:$0x1];
	p0 =	sne.s32 s2, $0x0  }
0xf7: {  	s3 =	rddreg [dreg:$0x2];
	[bflag:$0x3] =	sbarrier.arrive $0xFFFF;
	s2 =	simm.s32 @!p0 $0x1C02  }
0xf8: {  	[timem:s3], [sflag:s2] =	dma.local @!p0 [hbm:s0], s1  }
0xf9: {  	s0 =	simm.s32 @!p0 $0x2  }
0xfa: {  	_ =	swait.ge @!p0 [sflag:s0], s1  }
0xfb: {  	s1 =	ssub.s32 @!p0 $0x0, s1;
	[sflag:s0] =	ssyncset.done @!p0 $0x0  }
0xfc: {  	[sflag:s0] =	ssyncadd.s32 @!p0 s1  }
0xfd: {  	[bflag:$0x3] =	sbarrier.arrive $0xFFFF  }
0xfe: {  	_ =	shalt  }

</sc_bundles>
